<compile_context>
chip_gen: v7x
topology: tpu7x:2x2x1
jax: 0.10.2.dev20260603
libtpu: 0.0.44.dev20260713+nightly
codegen_flags: <defaults>
</compile_context>

<pallas_src>
import jax
import jax.numpy as jnp
from jax import lax
from jax.experimental import pallas as pl
from jax.experimental.pallas import tpu as pltpu
from jax.experimental.pallas import tpu_sc as plsc

B = 1024
L = 200
D = 64
N = B * L
NW = 32
CH = 128
PER_W = N // NW
CHUNKS = PER_W // CH

_INV_2PI = 0.15915494309189535
_PI2 = 6.283185307179586
_RND = 12582912.0

_COS_C = (9.98971753e-01, -4.96206363e-01, 3.95066164e-02, -9.91486311e-04)
_SIN_C = (9.99880657e-01, -1.66227669e-01, 8.08460370e-03, -1.53090404e-04)


def _sc_body(x_ref, ww_ref, wf_ref, wp_ref, out_ref,
             idx_v, amp_v, freq_v, bias_v, out_v, sem_g, sem_o):
  wid = lax.axis_index("s") * 2 + lax.axis_index("c")
  base = wid * PER_W

  pltpu.sync_copy(x_ref.at[pl.ds(wid * CHUNKS, CHUNKS)], idx_v)

  def gather_copies(c, nb):
    isl = idx_v.at[c]
    return (pltpu.make_async_copy(ww_ref.at[isl], amp_v.at[nb], sem_g.at[nb]),
            pltpu.make_async_copy(wf_ref.at[isl], freq_v.at[nb], sem_g.at[nb]),
            pltpu.make_async_copy(wp_ref.at[isl], bias_v.at[nb], sem_g.at[nb]))

  def out_copy(c, nb):
    return pltpu.make_async_copy(
        out_v.at[nb], out_ref.at[pl.ds(base + c * CH, CH)], sem_o.at[nb])

  for cp in gather_copies(0, 0):
    cp.start()

  def do_chunk(c, nb):
    @pl.when(c + 1 < CHUNKS)
    def _():
      for cp in gather_copies(c + 1, 1 - nb):
        cp.start()

    for cp in gather_copies(c, nb):
      cp.wait()

    @pl.when(c >= 2)
    def _():
      out_copy(c, nb).wait()

    pos0 = (c * CH) % L + 1

    @plsc.parallel_loop(0, CH, carry=jnp.int32(pos0), unroll=2)
    def tok_body(i, pos):
      posf = pos.astype(jnp.float32)
      for j in range(D // 16):
        sl = pl.ds(j * 16, 16)
        f = freq_v[nb, i, sl]
        bias = bias_v[nb, i, sl]
        amp = amp_v[nb, i, sl]
        ph = posf * f + bias
        out_v[nb, i, sl] = amp + ph
        out_v[nb, i, pl.ds(D + j * 16, 16)] = amp - ph
      return jnp.where(pos >= L, 1, pos + 1)

    out_copy(c, nb).start()

  def chunk_body(c, carry):
    do_chunk(c, c % 2)
    return carry

  lax.fori_loop(0, CHUNKS, chunk_body, 0)
  out_copy(CHUNKS - 2, 0).wait()
  out_copy(CHUNKS - 1, 1).wait()


@jax.jit
def _run(x2d, W_word, W_freq, W_phase):
  mesh = plsc.VectorSubcoreMesh(core_axis_name="c", subcore_axis_name="s")
  fn = pl.kernel(
      _sc_body,
      out_type=jax.ShapeDtypeStruct((N, 2 * D), jnp.float32),
      mesh=mesh,
      scratch_types=[
          pltpu.VMEM((CHUNKS, CH), jnp.int32),
          pltpu.VMEM((2, CH, D), jnp.float32),
          pltpu.VMEM((2, CH, D), jnp.float32),
          pltpu.VMEM((2, CH, D), jnp.float32),
          pltpu.VMEM((2, CH, 2 * D), jnp.float32),
          pltpu.SemaphoreType.DMA((2,)),
          pltpu.SemaphoreType.DMA((2,)),
      ],
      compiler_params=pltpu.CompilerParams(use_tc_tiling_on_sc=False),
  )
  return fn(x2d, W_word, W_freq, W_phase)


def kernel(x, W_word, W_freq, W_phase):
  x2d = x.reshape(N // CH, CH).astype(jnp.int32)
  out = _run(x2d, W_word, W_freq, W_phase)
  return out.reshape(B, L, 2 * D)

# --- scband reference (transcript-rebuilt; emitter-appended) ---
"""Pipeline reference for scband-complex-embedding-65773129171325 (READ-ONLY COPY).

The authoritative reference and input builder live on the scoring server;
editing this copy changes nothing except your own understanding.
"""

import jax, jax.numpy as jnp
import numpy as np
import math

VOCAB = 100000
D_EMB = 64  # d_model // 2
B = 1024
L = 200

def setup_inputs(seed: int = 0) -> dict:
    key = jax.random.key(seed)
    k1, k2, k3, k4 = jax.random.split(key, 4)
    x = jax.random.randint(k1, (B, L), 0, VOCAB)
    W_word = jax.random.normal(k2, (VOCAB, D_EMB), dtype=jnp.float32)
    W_freq = jax.random.normal(k3, (VOCAB, D_EMB), dtype=jnp.float32)
    W_phase = jax.random.normal(k4, (VOCAB, D_EMB), dtype=jnp.float32)
    return {"x": x, "W_word": W_word, "W_freq": W_freq, "W_phase": W_phase}

def reference(x, W_word, W_freq, W_phase):
    b, length = x.shape
    amp = jnp.take(W_word, x, axis=0)
    freq = jnp.take(W_freq, x, axis=0)
    # module re-assigns phase weight modulo 2*pi before lookup
    W_phase_mod = jnp.mod(W_phase, 2.0 * math.pi)
    dim_bias = jnp.take(W_phase_mod, x, axis=0)
    pos = jnp.arange(1, length + 1, dtype=jnp.float32)
    pos = pos[None, :, None]
    pos = jnp.broadcast_to(pos, amp.shape)
    out_phase = pos * freq + dim_bias
    out_real = amp * jnp.cos(out_phase)
    out_im = amp * jnp.sin(out_phase)
    return jnp.concatenate([out_real, out_im], axis=-1)

if __name__ == "__main__":
    import jax
    _d = setup_inputs()
    print(jax.jit(kernel)(*tuple(_d.values())))

</pallas_src>

<mosaic_0001>
#map = affine_map<(d0, d1) -> (0, 0)>
module attributes {stable_mosaic.version = 14 : i64} {
  func.func @_sc_body(%arg0: i32, %arg1: i32, %arg2: memref<1600x128xi32, #tpu.memory_space<hbm>>, %arg3: memref<100000x64xf32, #tpu.memory_space<hbm>>, %arg4: memref<100000x64xf32, #tpu.memory_space<hbm>>, %arg5: memref<100000x64xf32, #tpu.memory_space<hbm>>, %arg6: memref<204800x128xf32, #tpu.memory_space<hbm>>, %arg7: memref<50x128xi32, #tpu.memory_space<vmem>>, %arg8: memref<2x128x64xf32, #tpu.memory_space<vmem>>, %arg9: memref<2x128x64xf32, #tpu.memory_space<vmem>>, %arg10: memref<2x128x64xf32, #tpu.memory_space<vmem>>, %arg11: memref<2x128x128xf32, #tpu.memory_space<vmem>>, %arg12: memref<2x!tpu.dma_semaphore, #tpu.memory_space<semaphore_mem>>, %arg13: memref<2x!tpu.dma_semaphore, #tpu.memory_space<semaphore_mem>>) attributes {dimension_semantics = [#tpu.dimension_semantics<core_parallel>, #tpu.dimension_semantics<subcore_parallel>], iteration_bounds = array<i64: 2, 16>, scalar_prefetch = 0 : i64, scratch_operands = 7 : i64, tpu.core_type = #tpu.core_type<sc_vector_subcore>, window_params = [{transform_indices = #map}, {transform_indices = #map}, {transform_indices = #map}, {transform_indices = #map}, {transform_indices = #map}]} {
    %mul3A = arith.constant 2 : i32
    %mul3A_0 = arith.muli %arg1, %mul3A : i32
    %add3A = arith.addi %mul3A_0, %arg0 : i32
    %mul3A_1 = arith.constant 6400 : i32
    %mul3A_2 = arith.muli %add3A, %mul3A_1 : i32
    %mul3A_3 = arith.constant 50 : i32
    %mul3A_4 = arith.muli %add3A, %mul3A_3 : i32
    "tpu.region"() ({
      %run_scoped3A = tpu.sem_alloc : memref<!tpu.dma_semaphore, #tpu.memory_space<semaphore_mem>>
      %dma_start3A_89 = arith.constant 0 : i32
      %dma_start3A_90 = tpu.memref_slice %arg2[%mul3A_4, %dma_start3A_89] : memref<1600x128xi32, #tpu.memory_space<hbm>> -> memref<50x128xi32, #tpu.memory_space<hbm>>
      %dma_start3A_91 = arith.constant 0 : i32
      %dma_start3A_92 = tpu.memref_slice %arg2[%mul3A_4, %dma_start3A_91] : memref<1600x128xi32, #tpu.memory_space<hbm>> -> memref<50x128xi32, #tpu.memory_space<hbm>>
      tpu.enqueue_dma source(%dma_start3A_92 : memref<50x128xi32, #tpu.memory_space<hbm>>) target(%arg7 : memref<50x128xi32, #tpu.memory_space<vmem>>) target_semaphore(%run_scoped3A : memref<!tpu.dma_semaphore, #tpu.memory_space<semaphore_mem>>)
      %dma_wait3A_93 = arith.constant 0 : i32
      %dma_wait3A_94 = tpu.memref_slice %arg2[%mul3A_4, %dma_wait3A_93] : memref<1600x128xi32, #tpu.memory_space<hbm>> -> memref<50x128xi32, #tpu.memory_space<hbm>>
      %dma_wait3A_95 = arith.constant 0 : i32
      %dma_wait3A_96 = tpu.memref_slice %arg2[%mul3A_4, %dma_wait3A_95] : memref<1600x128xi32, #tpu.memory_space<hbm>> -> memref<50x128xi32, #tpu.memory_space<hbm>>
      tpu.wait_dma2 semaphore(%run_scoped3A : memref<!tpu.dma_semaphore, #tpu.memory_space<semaphore_mem>>) src(%dma_wait3A_96 : memref<50x128xi32, #tpu.memory_space<hbm>>) dst(%arg7 : memref<50x128xi32, #tpu.memory_space<vmem>>)
      tpu.yield
    }) : () -> ()
    %dma_start3A = arith.constant 0 : i32
    %dma_start3A_5 = arith.constant 0 : i32
    %dma_start3A_6 = arith.constant 0 : i32
    %dma_start3A_7 = arith.constant 0 : i32
    %dma_start3A_8 = arith.constant 0 : i32
    %dma_start3A_9 = tpu.memref_slice %arg8[%dma_start3A_5, %dma_start3A_7, %dma_start3A_8] : memref<2x128x64xf32, #tpu.memory_space<vmem>> -> memref<1x128x64xf32, #tpu.memory_space<vmem>>
    %dma_start3A_10 = tpu.memref_squeeze %dma_start3A_9 : memref<1x128x64xf32, #tpu.memory_space<vmem>> -> memref<128x64xf32, #tpu.memory_space<vmem>>
    %dma_start3A_11 = arith.constant 0 : i32
    %dma_start3A_12 = tpu.memref_slice %arg7[%dma_start3A, %dma_start3A_11] : memref<50x128xi32, #tpu.memory_space<vmem>> -> memref<1x128xi32, #tpu.memory_space<vmem>>
    %dma_start3A_13 = tpu.memref_squeeze %dma_start3A_12 : memref<1x128xi32, #tpu.memory_space<vmem>> -> memref<128xi32, #tpu.memory_space<vmem>>
    %dma_start3A_14 = arith.constant 0 : i32
    %dma_start3A_15 = arith.constant 0 : i32
    %dma_start3A_16 = tpu.memref_slice %arg3[%dma_start3A_14, %dma_start3A_15] : memref<100000x64xf32, #tpu.memory_space<hbm>> -> memref<100000x64xf32, #tpu.memory_space<hbm>>
    %dma_start3A_17 = tpu.memref_slice %arg12[%dma_start3A_6] : memref<2x!tpu.dma_semaphore, #tpu.memory_space<semaphore_mem>> -> memref<1x!tpu.dma_semaphore, #tpu.memory_space<semaphore_mem>>
    %dma_start3A_18 = tpu.memref_squeeze %dma_start3A_17 : memref<1x!tpu.dma_semaphore, #tpu.memory_space<semaphore_mem>> -> memref<!tpu.dma_semaphore, #tpu.memory_space<semaphore_mem>>
    tpu.enqueue_indirect_dma source(%dma_start3A_16 : memref<100000x64xf32, #tpu.memory_space<hbm>>) target(%dma_start3A_10 : memref<128x64xf32, #tpu.memory_space<vmem>>) offsets(%dma_start3A_13 : memref<128xi32, #tpu.memory_space<vmem>>) semaphore(%dma_start3A_18 : memref<!tpu.dma_semaphore, #tpu.memory_space<semaphore_mem>>)
    %dma_start3A_19 = arith.constant 0 : i32
    %dma_start3A_20 = arith.constant 0 : i32
    %dma_start3A_21 = arith.constant 0 : i32
    %dma_start3A_22 = arith.constant 0 : i32
    %dma_start3A_23 = arith.constant 0 : i32
    %dma_start3A_24 = tpu.memref_slice %arg9[%dma_start3A_20, %dma_start3A_22, %dma_start3A_23] : memref<2x128x64xf32, #tpu.memory_space<vmem>> -> memref<1x128x64xf32, #tpu.memory_space<vmem>>
    %dma_start3A_25 = tpu.memref_squeeze %dma_start3A_24 : memref<1x128x64xf32, #tpu.memory_space<vmem>> -> memref<128x64xf32, #tpu.memory_space<vmem>>
    %dma_start3A_26 = arith.constant 0 : i32
    %dma_start3A_27 = tpu.memref_slice %arg7[%dma_start3A_19, %dma_start3A_26] : memref<50x128xi32, #tpu.memory_space<vmem>> -> memref<1x128xi32, #tpu.memory_space<vmem>>
    %dma_start3A_28 = tpu.memref_squeeze %dma_start3A_27 : memref<1x128xi32, #tpu.memory_space<vmem>> -> memref<128xi32, #tpu.memory_space<vmem>>
    %dma_start3A_29 = arith.constant 0 : i32
    %dma_start3A_30 = arith.constant 0 : i32
    %dma_start3A_31 = tpu.memref_slice %arg4[%dma_start3A_29, %dma_start3A_30] : memref<100000x64xf32, #tpu.memory_space<hbm>> -> memref<100000x64xf32, #tpu.memory_space<hbm>>
    %dma_start3A_32 = tpu.memref_slice %arg12[%dma_start3A_21] : memref<2x!tpu.dma_semaphore, #tpu.memory_space<semaphore_mem>> -> memref<1x!tpu.dma_semaphore, #tpu.memory_space<semaphore_mem>>
    %dma_start3A_33 = tpu.memref_squeeze %dma_start3A_32 : memref<1x!tpu.dma_semaphore, #tpu.memory_space<semaphore_mem>> -> memref<!tpu.dma_semaphore, #tpu.memory_space<semaphore_mem>>
    tpu.enqueue_indirect_dma source(%dma_start3A_31 : memref<100000x64xf32, #tpu.memory_space<hbm>>) target(%dma_start3A_25 : memref<128x64xf32, #tpu.memory_space<vmem>>) offsets(%dma_start3A_28 : memref<128xi32, #tpu.memory_space<vmem>>) semaphore(%dma_start3A_33 : memref<!tpu.dma_semaphore, #tpu.memory_space<semaphore_mem>>)
    %dma_start3A_34 = arith.constant 0 : i32
    %dma_start3A_35 = arith.constant 0 : i32
    %dma_start3A_36 = arith.constant 0 : i32
    %dma_start3A_37 = arith.constant 0 : i32
    %dma_start3A_38 = arith.constant 0 : i32
    %dma_start3A_39 = tpu.memref_slice %arg10[%dma_start3A_35, %dma_start3A_37, %dma_start3A_38] : memref<2x128x64xf32, #tpu.memory_space<vmem>> -> memref<1x128x64xf32, #tpu.memory_space<vmem>>
    %dma_start3A_40 = tpu.memref_squeeze %dma_start3A_39 : memref<1x128x64xf32, #tpu.memory_space<vmem>> -> memref<128x64xf32, #tpu.memory_space<vmem>>
    %dma_start3A_41 = arith.constant 0 : i32
    %dma_start3A_42 = tpu.memref_slice %arg7[%dma_start3A_34, %dma_start3A_41] : memref<50x128xi32, #tpu.memory_space<vmem>> -> memref<1x128xi32, #tpu.memory_space<vmem>>
    %dma_start3A_43 = tpu.memref_squeeze %dma_start3A_42 : memref<1x128xi32, #tpu.memory_space<vmem>> -> memref<128xi32, #tpu.memory_space<vmem>>
    %dma_start3A_44 = arith.constant 0 : i32
    %dma_start3A_45 = arith.constant 0 : i32
    %dma_start3A_46 = tpu.memref_slice %arg5[%dma_start3A_44, %dma_start3A_45] : memref<100000x64xf32, #tpu.memory_space<hbm>> -> memref<100000x64xf32, #tpu.memory_space<hbm>>
    %dma_start3A_47 = tpu.memref_slice %arg12[%dma_start3A_36] : memref<2x!tpu.dma_semaphore, #tpu.memory_space<semaphore_mem>> -> memref<1x!tpu.dma_semaphore, #tpu.memory_space<semaphore_mem>>
    %dma_start3A_48 = tpu.memref_squeeze %dma_start3A_47 : memref<1x!tpu.dma_semaphore, #tpu.memory_space<semaphore_mem>> -> memref<!tpu.dma_semaphore, #tpu.memory_space<semaphore_mem>>
    tpu.enqueue_indirect_dma source(%dma_start3A_46 : memref<100000x64xf32, #tpu.memory_space<hbm>>) target(%dma_start3A_40 : memref<128x64xf32, #tpu.memory_space<vmem>>) offsets(%dma_start3A_43 : memref<128xi32, #tpu.memory_space<vmem>>) semaphore(%dma_start3A_48 : memref<!tpu.dma_semaphore, #tpu.memory_space<semaphore_mem>>)
    %scan3A = arith.constant 0 : i32
    %scan3A_49 = arith.constant 0 : i32
    %scan3A_50 = arith.constant 50 : i32
    %scan3A_51 = arith.addi %scan3A_49, %scan3A_50 : i32
    %scan3A_52 = arith.constant 1 : i32
    scf.for %scan3A_89 = %scan3A_49 to %scan3A_51 step %scan3A_52  : i32 {
      %jit3A = arith.constant 2 : i32
      %eq3A = arith.constant 0 : i32
      %eq3A_90 = arith.cmpi eq, %jit3A, %eq3A : i32
      %jit3A_91 = arith.constant 1 : i32
      %select_n3A = arith.select %eq3A_90, %jit3A_91, %jit3A : i32
      %rem3A = arith.remsi %scan3A_89, %select_n3A : i32
      %ne3A = arith.constant 0 : i32
      %ne3A_92 = arith.cmpi ne, %rem3A, %ne3A : i32
      %lt3A = arith.constant 0 : i32
      %lt3A_93 = arith.cmpi slt, %rem3A, %lt3A : i32
      %lt3A_94 = arith.constant 0 : i32
      %lt3A_95 = arith.cmpi slt, %select_n3A, %lt3A_94 : i32
      %ne3A_96 = arith.xori %lt3A_93, %lt3A_95 : i1
      %and3A = arith.andi %ne3A_96, %ne3A_92 : i1
      %add3A_97 = arith.addi %rem3A, %select_n3A : i32
      %select_n3A_98 = arith.select %and3A, %add3A_97, %rem3A : i32
      %add3A_99 = arith.constant 1 : i32
      %add3A_100 = arith.addi %scan3A_89, %add3A_99 : i32
      %lt3A_101 = arith.constant 50 : i32
      %lt3A_102 = arith.cmpi slt, %add3A_100, %lt3A_101 : i32
      %convert_element_type3A = arith.extui %lt3A_102 : i1 to i32
      %cond3A = arith.constant 0 : i32
      %cond3A_103 = arith.cmpi ne, %convert_element_type3A, %cond3A : i32
      scf.if %cond3A_103 {
        %add3A_184 = arith.constant 1 : i32
        %add3A_185 = arith.addi %scan3A_89, %add3A_184 : i32
        %sub3A = arith.constant 1 : i32
        %sub3A_186 = arith.subi %sub3A, %select_n3A_98 : i32
        %dma_start3A_187 = arith.constant 0 : i32
        %dma_start3A_188 = arith.constant 0 : i32
        %dma_start3A_189 = tpu.memref_slice %arg8[%sub3A_186, %dma_start3A_187, %dma_start3A_188] : memref<2x128x64xf32, #tpu.memory_space<vmem>> -> memref<1x128x64xf32, #tpu.memory_space<vmem>>
        %dma_start3A_190 = tpu.memref_squeeze %dma_start3A_189 : memref<1x128x64xf32, #tpu.memory_space<vmem>> -> memref<128x64xf32, #tpu.memory_space<vmem>>
        %dma_start3A_191 = arith.constant 0 : i32
        %dma_start3A_192 = tpu.memref_slice %arg7[%add3A_185, %dma_start3A_191] : memref<50x128xi32, #tpu.memory_space<vmem>> -> memref<1x128xi32, #tpu.memory_space<vmem>>
        %dma_start3A_193 = tpu.memref_squeeze %dma_start3A_192 : memref<1x128xi32, #tpu.memory_space<vmem>> -> memref<128xi32, #tpu.memory_space<vmem>>
        %dma_start3A_194 = arith.constant 0 : i32
        %dma_start3A_195 = arith.constant 0 : i32
        %dma_start3A_196 = tpu.memref_slice %arg3[%dma_start3A_194, %dma_start3A_195] : memref<100000x64xf32, #tpu.memory_space<hbm>> -> memref<100000x64xf32, #tpu.memory_space<hbm>>
        %dma_start3A_197 = tpu.memref_slice %arg12[%sub3A_186] : memref<2x!tpu.dma_semaphore, #tpu.memory_space<semaphore_mem>> -> memref<1x!tpu.dma_semaphore, #tpu.memory_space<semaphore_mem>>
        %dma_start3A_198 = tpu.memref_squeeze %dma_start3A_197 : memref<1x!tpu.dma_semaphore, #tpu.memory_space<semaphore_mem>> -> memref<!tpu.dma_semaphore, #tpu.memory_space<semaphore_mem>>
        tpu.enqueue_indirect_dma source(%dma_start3A_196 : memref<100000x64xf32, #tpu.memory_space<hbm>>) target(%dma_start3A_190 : memref<128x64xf32, #tpu.memory_space<vmem>>) offsets(%dma_start3A_193 : memref<128xi32, #tpu.memory_space<vmem>>) semaphore(%dma_start3A_198 : memref<!tpu.dma_semaphore, #tpu.memory_space<semaphore_mem>>)
        %dma_start3A_199 = arith.constant 0 : i32
        %dma_start3A_200 = arith.constant 0 : i32
        %dma_start3A_201 = tpu.memref_slice %arg9[%sub3A_186, %dma_start3A_199, %dma_start3A_200] : memref<2x128x64xf32, #tpu.memory_space<vmem>> -> memref<1x128x64xf32, #tpu.memory_space<vmem>>
        %dma_start3A_202 = tpu.memref_squeeze %dma_start3A_201 : memref<1x128x64xf32, #tpu.memory_space<vmem>> -> memref<128x64xf32, #tpu.memory_space<vmem>>
        %dma_start3A_203 = arith.constant 0 : i32
        %dma_start3A_204 = tpu.memref_slice %arg7[%add3A_185, %dma_start3A_203] : memref<50x128xi32, #tpu.memory_space<vmem>> -> memref<1x128xi32, #tpu.memory_space<vmem>>
        %dma_start3A_205 = tpu.memref_squeeze %dma_start3A_204 : memref<1x128xi32, #tpu.memory_space<vmem>> -> memref<128xi32, #tpu.memory_space<vmem>>
        %dma_start3A_206 = arith.constant 0 : i32
        %dma_start3A_207 = arith.constant 0 : i32
        %dma_start3A_208 = tpu.memref_slice %arg4[%dma_start3A_206, %dma_start3A_207] : memref<100000x64xf32, #tpu.memory_space<hbm>> -> memref<100000x64xf32, #tpu.memory_space<hbm>>
        %dma_start3A_209 = tpu.memref_slice %arg12[%sub3A_186] : memref<2x!tpu.dma_semaphore, #tpu.memory_space<semaphore_mem>> -> memref<1x!tpu.dma_semaphore, #tpu.memory_space<semaphore_mem>>
        %dma_start3A_210 = tpu.memref_squeeze %dma_start3A_209 : memref<1x!tpu.dma_semaphore, #tpu.memory_space<semaphore_mem>> -> memref<!tpu.dma_semaphore, #tpu.memory_space<semaphore_mem>>
        tpu.enqueue_indirect_dma source(%dma_start3A_208 : memref<100000x64xf32, #tpu.memory_space<hbm>>) target(%dma_start3A_202 : memref<128x64xf32, #tpu.memory_space<vmem>>) offsets(%dma_start3A_205 : memref<128xi32, #tpu.memory_space<vmem>>) semaphore(%dma_start3A_210 : memref<!tpu.dma_semaphore, #tpu.memory_space<semaphore_mem>>)
        %dma_start3A_211 = arith.constant 0 : i32
        %dma_start3A_212 = arith.constant 0 : i32
        %dma_start3A_213 = tpu.memref_slice %arg10[%sub3A_186, %dma_start3A_211, %dma_start3A_212] : memref<2x128x64xf32, #tpu.memory_space<vmem>> -> memref<1x128x64xf32, #tpu.memory_space<vmem>>
        %dma_start3A_214 = tpu.memref_squeeze %dma_start3A_213 : memref<1x128x64xf32, #tpu.memory_space<vmem>> -> memref<128x64xf32, #tpu.memory_space<vmem>>
        %dma_start3A_215 = arith.constant 0 : i32
        %dma_start3A_216 = tpu.memref_slice %arg7[%add3A_185, %dma_start3A_215] : memref<50x128xi32, #tpu.memory_space<vmem>> -> memref<1x128xi32, #tpu.memory_space<vmem>>
        %dma_start3A_217 = tpu.memref_squeeze %dma_start3A_216 : memref<1x128xi32, #tpu.memory_space<vmem>> -> memref<128xi32, #tpu.memory_space<vmem>>
        %dma_start3A_218 = arith.constant 0 : i32
        %dma_start3A_219 = arith.constant 0 : i32
        %dma_start3A_220 = tpu.memref_slice %arg5[%dma_start3A_218, %dma_start3A_219] : memref<100000x64xf32, #tpu.memory_space<hbm>> -> memref<100000x64xf32, #tpu.memory_space<hbm>>
        %dma_start3A_221 = tpu.memref_slice %arg12[%sub3A_186] : memref<2x!tpu.dma_semaphore, #tpu.memory_space<semaphore_mem>> -> memref<1x!tpu.dma_semaphore, #tpu.memory_space<semaphore_mem>>
        %dma_start3A_222 = tpu.memref_squeeze %dma_start3A_221 : memref<1x!tpu.dma_semaphore, #tpu.memory_space<semaphore_mem>> -> memref<!tpu.dma_semaphore, #tpu.memory_space<semaphore_mem>>
        tpu.enqueue_indirect_dma source(%dma_start3A_220 : memref<100000x64xf32, #tpu.memory_space<hbm>>) target(%dma_start3A_214 : memref<128x64xf32, #tpu.memory_space<vmem>>) offsets(%dma_start3A_217 : memref<128xi32, #tpu.memory_space<vmem>>) semaphore(%dma_start3A_222 : memref<!tpu.dma_semaphore, #tpu.memory_space<semaphore_mem>>)
      } else {
      }
      %dma_wait3A_104 = arith.constant 0 : i32
      %dma_wait3A_105 = arith.constant 0 : i32
      %dma_wait3A_106 = tpu.memref_slice %arg8[%select_n3A_98, %dma_wait3A_104, %dma_wait3A_105] : memref<2x128x64xf32, #tpu.memory_space<vmem>> -> memref<1x128x64xf32, #tpu.memory_space<vmem>>
      %dma_wait3A_107 = tpu.memref_squeeze %dma_wait3A_106 : memref<1x128x64xf32, #tpu.memory_space<vmem>> -> memref<128x64xf32, #tpu.memory_space<vmem>>
      %dma_wait3A_108 = arith.constant 0 : i32
      %dma_wait3A_109 = tpu.memref_slice %arg7[%scan3A_89, %dma_wait3A_108] : memref<50x128xi32, #tpu.memory_space<vmem>> -> memref<1x128xi32, #tpu.memory_space<vmem>>
      %dma_wait3A_110 = tpu.memref_squeeze %dma_wait3A_109 : memref<1x128xi32, #tpu.memory_space<vmem>> -> memref<128xi32, #tpu.memory_space<vmem>>
      %dma_wait3A_111 = arith.constant 0 : i32
      %dma_wait3A_112 = arith.constant 0 : i32
      %dma_wait3A_113 = tpu.memref_slice %arg3[%dma_wait3A_111, %dma_wait3A_112] : memref<100000x64xf32, #tpu.memory_space<hbm>> -> memref<100000x64xf32, #tpu.memory_space<hbm>>
      %dma_wait3A_114 = tpu.memref_slice %arg12[%select_n3A_98] : memref<2x!tpu.dma_semaphore, #tpu.memory_space<semaphore_mem>> -> memref<1x!tpu.dma_semaphore, #tpu.memory_space<semaphore_mem>>
      %dma_wait3A_115 = tpu.memref_squeeze %dma_wait3A_114 : memref<1x!tpu.dma_semaphore, #tpu.memory_space<semaphore_mem>> -> memref<!tpu.dma_semaphore, #tpu.memory_space<semaphore_mem>>
      tpu.wait_indirect_dma semaphore(%dma_wait3A_115 : memref<!tpu.dma_semaphore, #tpu.memory_space<semaphore_mem>>) src(%dma_wait3A_113 : memref<100000x64xf32, #tpu.memory_space<hbm>>) dst(%dma_wait3A_107 : memref<128x64xf32, #tpu.memory_space<vmem>>)
      %dma_wait3A_116 = arith.constant 0 : i32
      %dma_wait3A_117 = arith.constant 0 : i32
      %dma_wait3A_118 = tpu.memref_slice %arg9[%select_n3A_98, %dma_wait3A_116, %dma_wait3A_117] : memref<2x128x64xf32, #tpu.memory_space<vmem>> -> memref<1x128x64xf32, #tpu.memory_space<vmem>>
      %dma_wait3A_119 = tpu.memref_squeeze %dma_wait3A_118 : memref<1x128x64xf32, #tpu.memory_space<vmem>> -> memref<128x64xf32, #tpu.memory_space<vmem>>
      %dma_wait3A_120 = arith.constant 0 : i32
      %dma_wait3A_121 = tpu.memref_slice %arg7[%scan3A_89, %dma_wait3A_120] : memref<50x128xi32, #tpu.memory_space<vmem>> -> memref<1x128xi32, #tpu.memory_space<vmem>>
      %dma_wait3A_122 = tpu.memref_squeeze %dma_wait3A_121 : memref<1x128xi32, #tpu.memory_space<vmem>> -> memref<128xi32, #tpu.memory_space<vmem>>
      %dma_wait3A_123 = arith.constant 0 : i32
      %dma_wait3A_124 = arith.constant 0 : i32
      %dma_wait3A_125 = tpu.memref_slice %arg4[%dma_wait3A_123, %dma_wait3A_124] : memref<100000x64xf32, #tpu.memory_space<hbm>> -> memref<100000x64xf32, #tpu.memory_space<hbm>>
      %dma_wait3A_126 = tpu.memref_slice %arg12[%select_n3A_98] : memref<2x!tpu.dma_semaphore, #tpu.memory_space<semaphore_mem>> -> memref<1x!tpu.dma_semaphore, #tpu.memory_space<semaphore_mem>>
      %dma_wait3A_127 = tpu.memref_squeeze %dma_wait3A_126 : memref<1x!tpu.dma_semaphore, #tpu.memory_space<semaphore_mem>> -> memref<!tpu.dma_semaphore, #tpu.memory_space<semaphore_mem>>
      tpu.wait_indirect_dma semaphore(%dma_wait3A_127 : memref<!tpu.dma_semaphore, #tpu.memory_space<semaphore_mem>>) src(%dma_wait3A_125 : memref<100000x64xf32, #tpu.memory_space<hbm>>) dst(%dma_wait3A_119 : memref<128x64xf32, #tpu.memory_space<vmem>>)
      %dma_wait3A_128 = arith.constant 0 : i32
      %dma_wait3A_129 = arith.constant 0 : i32
      %dma_wait3A_130 = tpu.memref_slice %arg10[%select_n3A_98, %dma_wait3A_128, %dma_wait3A_129] : memref<2x128x64xf32, #tpu.memory_space<vmem>> -> memref<1x128x64xf32, #tpu.memory_space<vmem>>
      %dma_wait3A_131 = tpu.memref_squeeze %dma_wait3A_130 : memref<1x128x64xf32, #tpu.memory_space<vmem>> -> memref<128x64xf32, #tpu.memory_space<vmem>>
      %dma_wait3A_132 = arith.constant 0 : i32
      %dma_wait3A_133 = tpu.memref_slice %arg7[%scan3A_89, %dma_wait3A_132] : memref<50x128xi32, #tpu.memory_space<vmem>> -> memref<1x128xi32, #tpu.memory_space<vmem>>
      %dma_wait3A_134 = tpu.memref_squeeze %dma_wait3A_133 : memref<1x128xi32, #tpu.memory_space<vmem>> -> memref<128xi32, #tpu.memory_space<vmem>>
      %dma_wait3A_135 = arith.constant 0 : i32
      %dma_wait3A_136 = arith.constant 0 : i32
      %dma_wait3A_137 = tpu.memref_slice %arg5[%dma_wait3A_135, %dma_wait3A_136] : memref<100000x64xf32, #tpu.memory_space<hbm>> -> memref<100000x64xf32, #tpu.memory_space<hbm>>
      %dma_wait3A_138 = tpu.memref_slice %arg12[%select_n3A_98] : memref<2x!tpu.dma_semaphore, #tpu.memory_space<semaphore_mem>> -> memref<1x!tpu.dma_semaphore, #tpu.memory_space<semaphore_mem>>
      %dma_wait3A_139 = tpu.memref_squeeze %dma_wait3A_138 : memref<1x!tpu.dma_semaphore, #tpu.memory_space<semaphore_mem>> -> memref<!tpu.dma_semaphore, #tpu.memory_space<semaphore_mem>>
      tpu.wait_indirect_dma semaphore(%dma_wait3A_139 : memref<!tpu.dma_semaphore, #tpu.memory_space<semaphore_mem>>) src(%dma_wait3A_137 : memref<100000x64xf32, #tpu.memory_space<hbm>>) dst(%dma_wait3A_131 : memref<128x64xf32, #tpu.memory_space<vmem>>)
      %ge3A = arith.constant 2 : i32
      %ge3A_140 = arith.cmpi sge, %scan3A_89, %ge3A : i32
      %convert_element_type3A_141 = arith.extui %ge3A_140 : i1 to i32
      %cond3A_142 = arith.constant 0 : i32
      %cond3A_143 = arith.cmpi ne, %convert_element_type3A_141, %cond3A_142 : i32
      scf.if %cond3A_143 {
        %mul3A_184 = arith.constant 128 : i32
        %mul3A_185 = arith.muli %scan3A_89, %mul3A_184 : i32
        %add3A_186 = arith.addi %mul3A_2, %mul3A_185 : i32
        %dma_wait3A_187 = arith.constant 0 : i32
        %dma_wait3A_188 = arith.constant 0 : i32
        %dma_wait3A_189 = tpu.memref_slice %arg11[%select_n3A_98, %dma_wait3A_187, %dma_wait3A_188] : memref<2x128x128xf32, #tpu.memory_space<vmem>> -> memref<1x128x128xf32, #tpu.memory_space<vmem>>
        %dma_wait3A_190 = tpu.memref_squeeze %dma_wait3A_189 : memref<1x128x128xf32, #tpu.memory_space<vmem>> -> memref<128x128xf32, #tpu.memory_space<vmem>>
        %dma_wait3A_191 = arith.constant 0 : i32
        %dma_wait3A_192 = tpu.memref_slice %arg6[%add3A_186, %dma_wait3A_191] : memref<204800x128xf32, #tpu.memory_space<hbm>> -> memref<128x128xf32, #tpu.memory_space<hbm>>
        %dma_wait3A_193 = tpu.memref_slice %arg13[%select_n3A_98] : memref<2x!tpu.dma_semaphore, #tpu.memory_space<semaphore_mem>> -> memref<1x!tpu.dma_semaphore, #tpu.memory_space<semaphore_mem>>
        %dma_wait3A_194 = tpu.memref_squeeze %dma_wait3A_193 : memref<1x!tpu.dma_semaphore, #tpu.memory_space<semaphore_mem>> -> memref<!tpu.dma_semaphore, #tpu.memory_space<semaphore_mem>>
        %dma_wait3A_195 = arith.constant 0 : i32
        %dma_wait3A_196 = tpu.memref_slice %arg6[%add3A_186, %dma_wait3A_195] : memref<204800x128xf32, #tpu.memory_space<hbm>> -> memref<128x128xf32, #tpu.memory_space<hbm>>
        %dma_wait3A_197 = arith.constant 0 : i32
        %dma_wait3A_198 = arith.constant 0 : i32
        %dma_wait3A_199 = tpu.memref_slice %arg11[%select_n3A_98, %dma_wait3A_197, %dma_wait3A_198] : memref<2x128x128xf32, #tpu.memory_space<vmem>> -> memref<1x128x128xf32, #tpu.memory_space<vmem>>
        %dma_wait3A_200 = tpu.memref_squeeze %dma_wait3A_199 : memref<1x128x128xf32, #tpu.memory_space<vmem>> -> memref<128x128xf32, #tpu.memory_space<vmem>>
        tpu.wait_dma2 semaphore(%dma_wait3A_194 : memref<!tpu.dma_semaphore, #tpu.memory_space<semaphore_mem>>) src(%dma_wait3A_200 : memref<128x128xf32, #tpu.memory_space<vmem>>) dst(%dma_wait3A_196 : memref<128x128xf32, #tpu.memory_space<hbm>>)
      } else {
      }
      %mul3A_144 = arith.constant 128 : i32
      %mul3A_145 = arith.muli %scan3A_89, %mul3A_144 : i32
      %jit3A_146 = arith.constant 200 : i32
      %eq3A_147 = arith.constant 0 : i32
      %eq3A_148 = arith.cmpi eq, %jit3A_146, %eq3A_147 : i32
      %jit3A_149 = arith.constant 1 : i32
      %select_n3A_150 = arith.select %eq3A_148, %jit3A_149, %jit3A_146 : i32
      %rem3A_151 = arith.remsi %mul3A_145, %select_n3A_150 : i32
      %ne3A_152 = arith.constant 0 : i32
      %ne3A_153 = arith.cmpi ne, %rem3A_151, %ne3A_152 : i32
      %lt3A_154 = arith.constant 0 : i32
      %lt3A_155 = arith.cmpi slt, %rem3A_151, %lt3A_154 : i32
      %lt3A_156 = arith.constant 0 : i32
      %lt3A_157 = arith.cmpi slt, %select_n3A_150, %lt3A_156 : i32
      %ne3A_158 = arith.xori %lt3A_155, %lt3A_157 : i1
      %and3A_159 = arith.andi %ne3A_158, %ne3A_153 : i1
      %add3A_160 = arith.addi %rem3A_151, %select_n3A_150 : i32
      %select_n3A_161 = arith.select %and3A_159, %add3A_160, %rem3A_151 : i32
      %add3A_162 = arith.constant 1 : i32
      %add3A_163 = arith.addi %select_n3A_161, %add3A_162 : i32
      %parallel_loop3A = arith.constant 0 : i32
      %parallel_loop3A_164 = arith.constant 128 : i32
      %parallel_loop3A_165 = arith.constant 1 : i32
      %parallel_loop3A_166 = scf.for %parallel_loop3A_184 = %parallel_loop3A to %parallel_loop3A_164 step %parallel_loop3A_165 iter_args(%parallel_loop3A_185 = %add3A_163) -> (i32)  : i32 {
        %parallel_loop3A_186 = arith.sitofp %parallel_loop3A_185 : i32 to f32
        %parallel_loop3A_187 = arith.index_cast %select_n3A_98 : i32 to index
        %parallel_loop3A_188 = arith.index_cast %parallel_loop3A_184 : i32 to index
        %parallel_loop3A_189 = arith.constant 0 : index
        %parallel_loop3A_190 = tpu.vector_load %arg9[%parallel_loop3A_187, %parallel_loop3A_188, %parallel_loop3A_189] {strides = array<i32>} : memref<2x128x64xf32, #tpu.memory_space<vmem>>, vector<1x1x16xf32>,
        %parallel_loop3A_191 = vector.shape_cast %parallel_loop3A_190 : vector<1x1x16xf32> to vector<16xf32>
        %parallel_loop3A_192 = arith.index_cast %select_n3A_98 : i32 to index
        %parallel_loop3A_193 = arith.index_cast %parallel_loop3A_184 : i32 to index
        %parallel_loop3A_194 = arith.constant 0 : index
        %parallel_loop3A_195 = tpu.vector_load %arg10[%parallel_loop3A_192, %parallel_loop3A_193, %parallel_loop3A_194] {strides = array<i32>} : memref<2x128x64xf32, #tpu.memory_space<vmem>>, vector<1x1x16xf32>,
        %parallel_loop3A_196 = vector.shape_cast %parallel_loop3A_195 : vector<1x1x16xf32> to vector<16xf32>
        %parallel_loop3A_197 = arith.index_cast %select_n3A_98 : i32 to index
        %parallel_loop3A_198 = arith.index_cast %parallel_loop3A_184 : i32 to index
        %parallel_loop3A_199 = arith.constant 0 : index
        %parallel_loop3A_200 = tpu.vector_load %arg8[%parallel_loop3A_197, %parallel_loop3A_198, %parallel_loop3A_199] {strides = array<i32>} : memref<2x128x64xf32, #tpu.memory_space<vmem>>, vector<1x1x16xf32>,
        %parallel_loop3A_201 = vector.shape_cast %parallel_loop3A_200 : vector<1x1x16xf32> to vector<16xf32>
        %parallel_loop3A_202 = vector.broadcast %parallel_loop3A_186 : f32 to vector<16xf32>
        %parallel_loop3A_203 = arith.mulf %parallel_loop3A_202, %parallel_loop3A_191 : vector<16xf32>
        %parallel_loop3A_204 = arith.addf %parallel_loop3A_203, %parallel_loop3A_196 : vector<16xf32>
        %parallel_loop3A_205 = arith.addf %parallel_loop3A_201, %parallel_loop3A_204 : vector<16xf32>
        %parallel_loop3A_206 = arith.index_cast %select_n3A_98 : i32 to index
        %parallel_loop3A_207 = arith.index_cast %parallel_loop3A_184 : i32 to index
        %parallel_loop3A_208 = arith.constant 0 : index
        %parallel_loop3A_209 = tpu.vector_load %arg11[%parallel_loop3A_206, %parallel_loop3A_207, %parallel_loop3A_208] {strides = array<i32>} : memref<2x128x128xf32, #tpu.memory_space<vmem>>, vector<1x1x16xf32>,
        %parallel_loop3A_210 = vector.shape_cast %parallel_loop3A_209 : vector<1x1x16xf32> to vector<16xf32>
        %parallel_loop3A_211 = vector.shape_cast %parallel_loop3A_205 : vector<16xf32> to vector<1x1x16xf32>
        tpu.vector_store %arg11[%parallel_loop3A_206, %parallel_loop3A_207, %parallel_loop3A_208], %parallel_loop3A_211 {strides = array<i32>} : memref<2x128x128xf32, #tpu.memory_space<vmem>>, vector<1x1x16xf32>,
        %parallel_loop3A_212 = arith.subf %parallel_loop3A_201, %parallel_loop3A_204 : vector<16xf32>
        %parallel_loop3A_213 = arith.index_cast %select_n3A_98 : i32 to index
        %parallel_loop3A_214 = arith.index_cast %parallel_loop3A_184 : i32 to index
        %parallel_loop3A_215 = arith.constant 64 : index
        %parallel_loop3A_216 = tpu.vector_load %arg11[%parallel_loop3A_213, %parallel_loop3A_214, %parallel_loop3A_215] {strides = array<i32>} : memref<2x128x128xf32, #tpu.memory_space<vmem>>, vector<1x1x16xf32>,
        %parallel_loop3A_217 = vector.shape_cast %parallel_loop3A_216 : vector<1x1x16xf32> to vector<16xf32>
        %parallel_loop3A_218 = vector.shape_cast %parallel_loop3A_212 : vector<16xf32> to vector<1x1x16xf32>
        tpu.vector_store %arg11[%parallel_loop3A_213, %parallel_loop3A_214, %parallel_loop3A_215], %parallel_loop3A_218 {strides = array<i32>} : memref<2x128x128xf32, #tpu.memory_space<vmem>>, vector<1x1x16xf32>,
        %parallel_loop3A_219 = arith.index_cast %select_n3A_98 : i32 to index
        %parallel_loop3A_220 = arith.index_cast %parallel_loop3A_184 : i32 to index
        %parallel_loop3A_221 = arith.constant 16 : index
        %parallel_loop3A_222 = tpu.vector_load %arg9[%parallel_loop3A_219, %parallel_loop3A_220, %parallel_loop3A_221] {strides = array<i32>} : memref<2x128x64xf32, #tpu.memory_space<vmem>>, vector<1x1x16xf32>,
        %parallel_loop3A_223 = vector.shape_cast %parallel_loop3A_222 : vector<1x1x16xf32> to vector<16xf32>
        %parallel_loop3A_224 = arith.index_cast %select_n3A_98 : i32 to index
        %parallel_loop3A_225 = arith.index_cast %parallel_loop3A_184 : i32 to index
        %parallel_loop3A_226 = arith.constant 16 : index
        %parallel_loop3A_227 = tpu.vector_load %arg10[%parallel_loop3A_224, %parallel_loop3A_225, %parallel_loop3A_226] {strides = array<i32>} : memref<2x128x64xf32, #tpu.memory_space<vmem>>, vector<1x1x16xf32>,
        %parallel_loop3A_228 = vector.shape_cast %parallel_loop3A_227 : vector<1x1x16xf32> to vector<16xf32>
        %parallel_loop3A_229 = arith.index_cast %select_n3A_98 : i32 to index
        %parallel_loop3A_230 = arith.index_cast %parallel_loop3A_184 : i32 to index
        %parallel_loop3A_231 = arith.constant 16 : index
        %parallel_loop3A_232 = tpu.vector_load %arg8[%parallel_loop3A_229, %parallel_loop3A_230, %parallel_loop3A_231] {strides = array<i32>} : memref<2x128x64xf32, #tpu.memory_space<vmem>>, vector<1x1x16xf32>,
        %parallel_loop3A_233 = vector.shape_cast %parallel_loop3A_232 : vector<1x1x16xf32> to vector<16xf32>
        %parallel_loop3A_234 = vector.broadcast %parallel_loop3A_186 : f32 to vector<16xf32>
        %parallel_loop3A_235 = arith.mulf %parallel_loop3A_234, %parallel_loop3A_223 : vector<16xf32>
        %parallel_loop3A_236 = arith.addf %parallel_loop3A_235, %parallel_loop3A_228 : vector<16xf32>
        %parallel_loop3A_237 = arith.addf %parallel_loop3A_233, %parallel_loop3A_236 : vector<16xf32>
        %parallel_loop3A_238 = arith.index_cast %select_n3A_98 : i32 to index
        %parallel_loop3A_239 = arith.index_cast %parallel_loop3A_184 : i32 to index
        %parallel_loop3A_240 = arith.constant 16 : index
        %parallel_loop3A_241 = tpu.vector_load %arg11[%parallel_loop3A_238, %parallel_loop3A_239, %parallel_loop3A_240] {strides = array<i32>} : memref<2x128x128xf32, #tpu.memory_space<vmem>>, vector<1x1x16xf32>,
        %parallel_loop3A_242 = vector.shape_cast %parallel_loop3A_241 : vector<1x1x16xf32> to vector<16xf32>
        %parallel_loop3A_243 = vector.shape_cast %parallel_loop3A_237 : vector<16xf32> to vector<1x1x16xf32>
        tpu.vector_store %arg11[%parallel_loop3A_238, %parallel_loop3A_239, %parallel_loop3A_240], %parallel_loop3A_243 {strides = array<i32>} : memref<2x128x128xf32, #tpu.memory_space<vmem>>, vector<1x1x16xf32>,
        %parallel_loop3A_244 = arith.subf %parallel_loop3A_233, %parallel_loop3A_236 : vector<16xf32>
        %parallel_loop3A_245 = arith.index_cast %select_n3A_98 : i32 to index
        %parallel_loop3A_246 = arith.index_cast %parallel_loop3A_184 : i32 to index
        %parallel_loop3A_247 = arith.constant 80 : index
        %parallel_loop3A_248 = tpu.vector_load %arg11[%parallel_loop3A_245, %parallel_loop3A_246, %parallel_loop3A_247] {strides = array<i32>} : memref<2x128x128xf32, #tpu.memory_space<vmem>>, vector<1x1x16xf32>,
        %parallel_loop3A_249 = vector.shape_cast %parallel_loop3A_248 : vector<1x1x16xf32> to vector<16xf32>
        %parallel_loop3A_250 = vector.shape_cast %parallel_loop3A_244 : vector<16xf32> to vector<1x1x16xf32>
        tpu.vector_store %arg11[%parallel_loop3A_245, %parallel_loop3A_246, %parallel_loop3A_247], %parallel_loop3A_250 {strides = array<i32>} : memref<2x128x128xf32, #tpu.memory_space<vmem>>, vector<1x1x16xf32>,
        %parallel_loop3A_251 = arith.index_cast %select_n3A_98 : i32 to index
        %parallel_loop3A_252 = arith.index_cast %parallel_loop3A_184 : i32 to index
        %parallel_loop3A_253 = arith.constant 32 : index
        %parallel_loop3A_254 = tpu.vector_load %arg9[%parallel_loop3A_251, %parallel_loop3A_252, %parallel_loop3A_253] {strides = array<i32>} : memref<2x128x64xf32, #tpu.memory_space<vmem>>, vector<1x1x16xf32>,
        %parallel_loop3A_255 = vector.shape_cast %parallel_loop3A_254 : vector<1x1x16xf32> to vector<16xf32>
        %parallel_loop3A_256 = arith.index_cast %select_n3A_98 : i32 to index
        %parallel_loop3A_257 = arith.index_cast %parallel_loop3A_184 : i32 to index
        %parallel_loop3A_258 = arith.constant 32 : index
        %parallel_loop3A_259 = tpu.vector_load %arg10[%parallel_loop3A_256, %parallel_loop3A_257, %parallel_loop3A_258] {strides = array<i32>} : memref<2x128x64xf32, #tpu.memory_space<vmem>>, vector<1x1x16xf32>,
        %parallel_loop3A_260 = vector.shape_cast %parallel_loop3A_259 : vector<1x1x16xf32> to vector<16xf32>
        %parallel_loop3A_261 = arith.index_cast %select_n3A_98 : i32 to index
        %parallel_loop3A_262 = arith.index_cast %parallel_loop3A_184 : i32 to index
        %parallel_loop3A_263 = arith.constant 32 : index
        %parallel_loop3A_264 = tpu.vector_load %arg8[%parallel_loop3A_261, %parallel_loop3A_262, %parallel_loop3A_263] {strides = array<i32>} : memref<2x128x64xf32, #tpu.memory_space<vmem>>, vector<1x1x16xf32>,
        %parallel_loop3A_265 = vector.shape_cast %parallel_loop3A_264 : vector<1x1x16xf32> to vector<16xf32>
        %parallel_loop3A_266 = vector.broadcast %parallel_loop3A_186 : f32 to vector<16xf32>
        %parallel_loop3A_267 = arith.mulf %parallel_loop3A_266, %parallel_loop3A_255 : vector<16xf32>
        %parallel_loop3A_268 = arith.addf %parallel_loop3A_267, %parallel_loop3A_260 : vector<16xf32>
        %parallel_loop3A_269 = arith.addf %parallel_loop3A_265, %parallel_loop3A_268 : vector<16xf32>
        %parallel_loop3A_270 = arith.index_cast %select_n3A_98 : i32 to index
        %parallel_loop3A_271 = arith.index_cast %parallel_loop3A_184 : i32 to index
        %parallel_loop3A_272 = arith.constant 32 : index
        %parallel_loop3A_273 = tpu.vector_load %arg11[%parallel_loop3A_270, %parallel_loop3A_271, %parallel_loop3A_272] {strides = array<i32>} : memref<2x128x128xf32, #tpu.memory_space<vmem>>, vector<1x1x16xf32>,
        %parallel_loop3A_274 = vector.shape_cast %parallel_loop3A_273 : vector<1x1x16xf32> to vector<16xf32>
        %parallel_loop3A_275 = vector.shape_cast %parallel_loop3A_269 : vector<16xf32> to vector<1x1x16xf32>
        tpu.vector_store %arg11[%parallel_loop3A_270, %parallel_loop3A_271, %parallel_loop3A_272], %parallel_loop3A_275 {strides = array<i32>} : memref<2x128x128xf32, #tpu.memory_space<vmem>>, vector<1x1x16xf32>,
        %parallel_loop3A_276 = arith.subf %parallel_loop3A_265, %parallel_loop3A_268 : vector<16xf32>
        %parallel_loop3A_277 = arith.index_cast %select_n3A_98 : i32 to index
        %parallel_loop3A_278 = arith.index_cast %parallel_loop3A_184 : i32 to index
        %parallel_loop3A_279 = arith.constant 96 : index
        %parallel_loop3A_280 = tpu.vector_load %arg11[%parallel_loop3A_277, %parallel_loop3A_278, %parallel_loop3A_279] {strides = array<i32>} : memref<2x128x128xf32, #tpu.memory_space<vmem>>, vector<1x1x16xf32>,
        %parallel_loop3A_281 = vector.shape_cast %parallel_loop3A_280 : vector<1x1x16xf32> to vector<16xf32>
        %parallel_loop3A_282 = vector.shape_cast %parallel_loop3A_276 : vector<16xf32> to vector<1x1x16xf32>
        tpu.vector_store %arg11[%parallel_loop3A_277, %parallel_loop3A_278, %parallel_loop3A_279], %parallel_loop3A_282 {strides = array<i32>} : memref<2x128x128xf32, #tpu.memory_space<vmem>>, vector<1x1x16xf32>,
        %parallel_loop3A_283 = arith.index_cast %select_n3A_98 : i32 to index
        %parallel_loop3A_284 = arith.index_cast %parallel_loop3A_184 : i32 to index
        %parallel_loop3A_285 = arith.constant 48 : index
        %parallel_loop3A_286 = tpu.vector_load %arg9[%parallel_loop3A_283, %parallel_loop3A_284, %parallel_loop3A_285] {strides = array<i32>} : memref<2x128x64xf32, #tpu.memory_space<vmem>>, vector<1x1x16xf32>,
        %parallel_loop3A_287 = vector.shape_cast %parallel_loop3A_286 : vector<1x1x16xf32> to vector<16xf32>
        %parallel_loop3A_288 = arith.index_cast %select_n3A_98 : i32 to index
        %parallel_loop3A_289 = arith.index_cast %parallel_loop3A_184 : i32 to index
        %parallel_loop3A_290 = arith.constant 48 : index
        %parallel_loop3A_291 = tpu.vector_load %arg10[%parallel_loop3A_288, %parallel_loop3A_289, %parallel_loop3A_290] {strides = array<i32>} : memref<2x128x64xf32, #tpu.memory_space<vmem>>, vector<1x1x16xf32>,
        %parallel_loop3A_292 = vector.shape_cast %parallel_loop3A_291 : vector<1x1x16xf32> to vector<16xf32>
        %parallel_loop3A_293 = arith.index_cast %select_n3A_98 : i32 to index
        %parallel_loop3A_294 = arith.index_cast %parallel_loop3A_184 : i32 to index
        %parallel_loop3A_295 = arith.constant 48 : index
        %parallel_loop3A_296 = tpu.vector_load %arg8[%parallel_loop3A_293, %parallel_loop3A_294, %parallel_loop3A_295] {strides = array<i32>} : memref<2x128x64xf32, #tpu.memory_space<vmem>>, vector<1x1x16xf32>,
        %parallel_loop3A_297 = vector.shape_cast %parallel_loop3A_296 : vector<1x1x16xf32> to vector<16xf32>
        %parallel_loop3A_298 = vector.broadcast %parallel_loop3A_186 : f32 to vector<16xf32>
        %parallel_loop3A_299 = arith.mulf %parallel_loop3A_298, %parallel_loop3A_287 : vector<16xf32>
        %parallel_loop3A_300 = arith.addf %parallel_loop3A_299, %parallel_loop3A_292 : vector<16xf32>
        %parallel_loop3A_301 = arith.addf %parallel_loop3A_297, %parallel_loop3A_300 : vector<16xf32>
        %parallel_loop3A_302 = arith.index_cast %select_n3A_98 : i32 to index
        %parallel_loop3A_303 = arith.index_cast %parallel_loop3A_184 : i32 to index
        %parallel_loop3A_304 = arith.constant 48 : index
        %parallel_loop3A_305 = tpu.vector_load %arg11[%parallel_loop3A_302, %parallel_loop3A_303, %parallel_loop3A_304] {strides = array<i32>} : memref<2x128x128xf32, #tpu.memory_space<vmem>>, vector<1x1x16xf32>,
        %parallel_loop3A_306 = vector.shape_cast %parallel_loop3A_305 : vector<1x1x16xf32> to vector<16xf32>
        %parallel_loop3A_307 = vector.shape_cast %parallel_loop3A_301 : vector<16xf32> to vector<1x1x16xf32>
        tpu.vector_store %arg11[%parallel_loop3A_302, %parallel_loop3A_303, %parallel_loop3A_304], %parallel_loop3A_307 {strides = array<i32>} : memref<2x128x128xf32, #tpu.memory_space<vmem>>, vector<1x1x16xf32>,
        %parallel_loop3A_308 = arith.subf %parallel_loop3A_297, %parallel_loop3A_300 : vector<16xf32>
        %parallel_loop3A_309 = arith.index_cast %select_n3A_98 : i32 to index
        %parallel_loop3A_310 = arith.index_cast %parallel_loop3A_184 : i32 to index
        %parallel_loop3A_311 = arith.constant 112 : index
        %parallel_loop3A_312 = tpu.vector_load %arg11[%parallel_loop3A_309, %parallel_loop3A_310, %parallel_loop3A_311] {strides = array<i32>} : memref<2x128x128xf32, #tpu.memory_space<vmem>>, vector<1x1x16xf32>,
        %parallel_loop3A_313 = vector.shape_cast %parallel_loop3A_312 : vector<1x1x16xf32> to vector<16xf32>
        %parallel_loop3A_314 = vector.shape_cast %parallel_loop3A_308 : vector<16xf32> to vector<1x1x16xf32>
        tpu.vector_store %arg11[%parallel_loop3A_309, %parallel_loop3A_310, %parallel_loop3A_311], %parallel_loop3A_314 {strides = array<i32>} : memref<2x128x128xf32, #tpu.memory_space<vmem>>, vector<1x1x16xf32>,
        %parallel_loop3A_315 = arith.constant 200 : i32
        %parallel_loop3A_316 = arith.cmpi sge, %parallel_loop3A_185, %parallel_loop3A_315 : i32
        %parallel_loop3A_317 = arith.constant 1 : i32
        %parallel_loop3A_318 = arith.addi %parallel_loop3A_185, %parallel_loop3A_317 : i32
        %parallel_loop3A_319 = arith.constant 1 : i32
        %parallel_loop3A_320 = arith.select %parallel_loop3A_316, %parallel_loop3A_319, %parallel_loop3A_318 : i32
        scf.yield %parallel_loop3A_320 : i32
      } {sc.loop_unroll_factor = 2 : i64, sc.parallel_access}
      %mul3A_167 = arith.constant 128 : i32
      %mul3A_168 = arith.muli %scan3A_89, %mul3A_167 : i32
      %add3A_169 = arith.addi %mul3A_2, %mul3A_168 : i32
      %dma_start3A_170 = arith.constant 0 : i32
      %dma_start3A_171 = arith.constant 0 : i32
      %dma_start3A_172 = tpu.memref_slice %arg11[%select_n3A_98, %dma_start3A_170, %dma_start3A_171] : memref<2x128x128xf32, #tpu.memory_space<vmem>> -> memref<1x128x128xf32, #tpu.memory_space<vmem>>
      %dma_start3A_173 = tpu.memref_squeeze %dma_start3A_172 : memref<1x128x128xf32, #tpu.memory_space<vmem>> -> memref<128x128xf32, #tpu.memory_space<vmem>>
      %dma_start3A_174 = arith.constant 0 : i32
      %dma_start3A_175 = tpu.memref_slice %arg6[%add3A_169, %dma_start3A_174] : memref<204800x128xf32, #tpu.memory_space<hbm>> -> memref<128x128xf32, #tpu.memory_space<hbm>>
      %dma_start3A_176 = tpu.memref_slice %arg13[%select_n3A_98] : memref<2x!tpu.dma_semaphore, #tpu.memory_space<semaphore_mem>> -> memref<1x!tpu.dma_semaphore, #tpu.memory_space<semaphore_mem>>
      %dma_start3A_177 = tpu.memref_squeeze %dma_start3A_176 : memref<1x!tpu.dma_semaphore, #tpu.memory_space<semaphore_mem>> -> memref<!tpu.dma_semaphore, #tpu.memory_space<semaphore_mem>>
      %dma_start3A_178 = arith.constant 0 : i32
      %dma_start3A_179 = tpu.memref_slice %arg6[%add3A_169, %dma_start3A_178] : memref<204800x128xf32, #tpu.memory_space<hbm>> -> memref<128x128xf32, #tpu.memory_space<hbm>>
      %dma_start3A_180 = arith.constant 0 : i32
      %dma_start3A_181 = arith.constant 0 : i32
      %dma_start3A_182 = tpu.memref_slice %arg11[%select_n3A_98, %dma_start3A_180, %dma_start3A_181] : memref<2x128x128xf32, #tpu.memory_space<vmem>> -> memref<1x128x128xf32, #tpu.memory_space<vmem>>
      %dma_start3A_183 = tpu.memref_squeeze %dma_start3A_182 : memref<1x128x128xf32, #tpu.memory_space<vmem>> -> memref<128x128xf32, #tpu.memory_space<vmem>>
      tpu.enqueue_dma source(%dma_start3A_183 : memref<128x128xf32, #tpu.memory_space<vmem>>) target(%dma_start3A_179 : memref<128x128xf32, #tpu.memory_space<hbm>>) target_semaphore(%dma_start3A_177 : memref<!tpu.dma_semaphore, #tpu.memory_space<semaphore_mem>>)
    }
    %scan3A_53 = arith.constant 50 : i32
    %add3A_54 = arith.constant 6144 : i32
    %add3A_55 = arith.addi %mul3A_2, %add3A_54 : i32
    %dma_wait3A = arith.constant 0 : i32
    %dma_wait3A_56 = arith.constant 0 : i32
    %dma_wait3A_57 = arith.constant 0 : i32
    %dma_wait3A_58 = arith.constant 0 : i32
    %dma_wait3A_59 = tpu.memref_slice %arg11[%dma_wait3A, %dma_wait3A_57, %dma_wait3A_58] : memref<2x128x128xf32, #tpu.memory_space<vmem>> -> memref<1x128x128xf32, #tpu.memory_space<vmem>>
    %dma_wait3A_60 = tpu.memref_squeeze %dma_wait3A_59 : memref<1x128x128xf32, #tpu.memory_space<vmem>> -> memref<128x128xf32, #tpu.memory_space<vmem>>
    %dma_wait3A_61 = arith.constant 0 : i32
    %dma_wait3A_62 = tpu.memref_slice %arg6[%add3A_55, %dma_wait3A_61] : memref<204800x128xf32, #tpu.memory_space<hbm>> -> memref<128x128xf32, #tpu.memory_space<hbm>>
    %dma_wait3A_63 = tpu.memref_slice %arg13[%dma_wait3A_56] : memref<2x!tpu.dma_semaphore, #tpu.memory_space<semaphore_mem>> -> memref<1x!tpu.dma_semaphore, #tpu.memory_space<semaphore_mem>>
    %dma_wait3A_64 = tpu.memref_squeeze %dma_wait3A_63 : memref<1x!tpu.dma_semaphore, #tpu.memory_space<semaphore_mem>> -> memref<!tpu.dma_semaphore, #tpu.memory_space<semaphore_mem>>
    %dma_wait3A_65 = arith.constant 0 : i32
    %dma_wait3A_66 = tpu.memref_slice %arg6[%add3A_55, %dma_wait3A_65] : memref<204800x128xf32, #tpu.memory_space<hbm>> -> memref<128x128xf32, #tpu.memory_space<hbm>>
    %dma_wait3A_67 = arith.constant 0 : i32
    %dma_wait3A_68 = arith.constant 0 : i32
    %dma_wait3A_69 = tpu.memref_slice %arg11[%dma_wait3A, %dma_wait3A_67, %dma_wait3A_68] : memref<2x128x128xf32, #tpu.memory_space<vmem>> -> memref<1x128x128xf32, #tpu.memory_space<vmem>>
    %dma_wait3A_70 = tpu.memref_squeeze %dma_wait3A_69 : memref<1x128x128xf32, #tpu.memory_space<vmem>> -> memref<128x128xf32, #tpu.memory_space<vmem>>
    tpu.wait_dma2 semaphore(%dma_wait3A_64 : memref<!tpu.dma_semaphore, #tpu.memory_space<semaphore_mem>>) src(%dma_wait3A_70 : memref<128x128xf32, #tpu.memory_space<vmem>>) dst(%dma_wait3A_66 : memref<128x128xf32, #tpu.memory_space<hbm>>)
    %add3A_71 = arith.constant 6272 : i32
    %add3A_72 = arith.addi %mul3A_2, %add3A_71 : i32
    %dma_wait3A_73 = arith.constant 1 : i32
    %dma_wait3A_74 = arith.constant 1 : i32
    %dma_wait3A_75 = arith.constant 0 : i32
    %dma_wait3A_76 = arith.constant 0 : i32
    %dma_wait3A_77 = tpu.memref_slice %arg11[%dma_wait3A_73, %dma_wait3A_75, %dma_wait3A_76] : memref<2x128x128xf32, #tpu.memory_space<vmem>> -> memref<1x128x128xf32, #tpu.memory_space<vmem>>
    %dma_wait3A_78 = tpu.memref_squeeze %dma_wait3A_77 : memref<1x128x128xf32, #tpu.memory_space<vmem>> -> memref<128x128xf32, #tpu.memory_space<vmem>>
    %dma_wait3A_79 = arith.constant 0 : i32
    %dma_wait3A_80 = tpu.memref_slice %arg6[%add3A_72, %dma_wait3A_79] : memref<204800x128xf32, #tpu.memory_space<hbm>> -> memref<128x128xf32, #tpu.memory_space<hbm>>
    %dma_wait3A_81 = tpu.memref_slice %arg13[%dma_wait3A_74] : memref<2x!tpu.dma_semaphore, #tpu.memory_space<semaphore_mem>> -> memref<1x!tpu.dma_semaphore, #tpu.memory_space<semaphore_mem>>
    %dma_wait3A_82 = tpu.memref_squeeze %dma_wait3A_81 : memref<1x!tpu.dma_semaphore, #tpu.memory_space<semaphore_mem>> -> memref<!tpu.dma_semaphore, #tpu.memory_space<semaphore_mem>>
    %dma_wait3A_83 = arith.constant 0 : i32
    %dma_wait3A_84 = tpu.memref_slice %arg6[%add3A_72, %dma_wait3A_83] : memref<204800x128xf32, #tpu.memory_space<hbm>> -> memref<128x128xf32, #tpu.memory_space<hbm>>
    %dma_wait3A_85 = arith.constant 0 : i32
    %dma_wait3A_86 = arith.constant 0 : i32
    %dma_wait3A_87 = tpu.memref_slice %arg11[%dma_wait3A_73, %dma_wait3A_85, %dma_wait3A_86] : memref<2x128x128xf32, #tpu.memory_space<vmem>> -> memref<1x128x128xf32, #tpu.memory_space<vmem>>
    %dma_wait3A_88 = tpu.memref_squeeze %dma_wait3A_87 : memref<1x128x128xf32, #tpu.memory_space<vmem>> -> memref<128x128xf32, #tpu.memory_space<vmem>>
    tpu.wait_dma2 semaphore(%dma_wait3A_82 : memref<!tpu.dma_semaphore, #tpu.memory_space<semaphore_mem>>) src(%dma_wait3A_88 : memref<128x128xf32, #tpu.memory_space<vmem>>) dst(%dma_wait3A_84 : memref<128x128xf32, #tpu.memory_space<hbm>>)
    return
  }
}

</mosaic_0001>

<sc_bundles>
// kernel: _run.3.cloned.1.call-start
scs
__scs_entry_jumppad:
0x0: {  	(pc) =	sbr.rel $0x88, $3  }
0x1: {  	(tag) =	ssettag $0x0;
	lr =	simm.s32 $0x1  }
0x2: {  	[smem:$0x3F9D] =	sst lr;
	_ =	strace $0xD0000000  }
0x3: {  	_ = 	snop  }
0x4: {  	_ = 	snop  }
0x5: {  	_ = 	snop  }
0x6: {  	_ = 	snop  }
0x7: {  	_ = 	snop  }
__scs_overlays_trampoline_lowered:
0x8: {  	[smem:$0x3FAC] =	sst s0  }
0x9: {  	[smem:$0x3FAD] =	sst s1  }
0xa: {  	[smem:$0x3FAE] =	sst s2  }
0xb: {  	[smem:$0x3FAF] =	sst s3  }
0xc: {  	[smem:$0x3FB0] =	sst s4  }
0xd: {  	[smem:$0x3FB1] =	sst s5  }
0xe: {  	[smem:$0x3FB2] =	sst s6  }
0xf: {  	[smem:$0x3FB3] =	sst s7  }
0x10: {  	[smem:$0x3FB4] =	sst s8  }
0x11: {  	[smem:$0x3FB5] =	sst s9;
	s0 =	simm.s32 @!p0 $0x0  }
0x12: {  	s1 =	sld [smem:$0x3F9B];
	s0 =	simm.s32 @p0 $0x1  }
0x13: {  	[smem:$0x3FB6] =	sst s0;
	s0 =	simm.s32 @!p1 $0x0  }
0x14: {  	s2 =	sld [smem:$0x3F9A];
	s0 =	simm.s32 @p1 $0x1  }
0x15: {  	[smem:$0x3FB7] =	sst s0;
	s0 =	simm.s32 @!p2 $0x0  }
0x16: {  	s3 =	sld [smem:$0x3FDB];
	s0 =	simm.s32 @p2 $0x1  }
0x17: {  	s4 =	simm.s32 $0x1BF5;
	[smem:$0x3FB9] =	sst s0  }
0x18: {  	s0 =	sld [smem:$0x3F9C];
	_ =	swait.ge [sflag:s4], $0x0  }
0x19: {  	s7 =	sld [smem:$0x3F9D]  }
0x1a: {  	s8 =	sadd.s32 $0xFFFFE003, lr  }
0x1b: {  	s9 =	sadd.s32 $0xFFFFFEF7, lr;
	s5 =	simm.s32 $0xFFFFFFFF;
	p2 =	slt.u32 s8, $0xFFFFF086  }
0x1c: {  	p1 =	slt.u32 s9, $0xF7A;
	s5 =	simm.s32 @!p2 $0x0  }
0x1d: {  	s5 =	simm.s32 @p1 $0x1;
	p0 =	seq.s32 s7, s2  }
0x1e: {  	s7 =	smul.u32 @!p0 $0xF7A, s2;
	p2 =	seq.s32 @!p0 s5, $0x0  }
0x1f: {  	s9 =	smul.u32 $0xF7A, s1;
	s8 =	simm.s32 @!p0 $0x1BF5;
	p2 =	por !p2, p0  }
0x20: {  	[sflag:s8] =	ssyncset.s32 @!p0 $0xFFFFF086;
	s6 =	sadd.s32 @!p0 s3, s7;
	s7 =	simm.s32 @!p0 $0x108  }
0x21: {  	s3 =	sadd.s32 s3, s9;
	s6 =	sadd.s32 @!p0 $0x88, s6;
	s7 =	simm.s32 @p2 $0x1082  }
0x22: {  	[simem:s7], [sflag:s8] =	dma.local @!p0 [hbm:s6], $0xF7A  }
0x23: {  	s9 =	sor.u32 $0xD0000000, s2;
	s6 =	simm.s32 $0x108;
	_ =	swait.ge @!p0 [sflag:s8], $0x0  }
0x24: {  	s3 =	sadd.s32 $0x88, s3;
	s6 =	simm.s32 @!p1 $0x1082;
	[sflag:s4] =	ssyncset.s32 $0xFFFFF086  }
0x25: {  	[simem:s6], [sflag:s4] =	dma.local [hbm:s3], $0xF7A  }
0x26: {  	[smem:$0x3F9D] =	sst s1;
	(tag) =	ssettag s2;
	_ =	strace s9  }
0x27: {  	s1 =	sld [smem:$0x3FAD]  }
0x28: {  	s2 =	sld [smem:$0x3FAE]  }
0x29: {  	s4 =	sld [smem:$0x3FB0]  }
0x2a: {  	p0 =	seq.s32 s5, $0x0;
	s5 =	sld [smem:$0x3FB1]  }
0x2b: {  	s6 =	sld [smem:$0x3FB2]  }
0x2c: {  	s7 =	sld [smem:$0x3FB3]  }
0x2d: {  	s3 =	simm.s32 $0x108;
	s8 =	sld [smem:$0x3FB4]  }
0x2e: {  	s3 =	simm.s32 @!p0 $0x1082;
	s9 =	sld [smem:$0x3FB5]  }
0x2f: {  	lr =	sadd.s32 s0, s3;
	s0 =	sld [smem:$0x3FAC]  }
0x30: {  	s3 =	sld [smem:$0x3FAF]  }
0x31: {  	[smem:$0x3FB8] =	sst s10  }
0x32: {  	s10 =	sld [smem:$0x3FB6];
	_ =	sdelay $0x3  }
0x33: {  	p0 =	seq.s32 s10, $0x1;
	s10 =	sld [smem:$0x3FB8];
	_ =	sdelay $0x3  }
0x34: {  	[smem:$0x3FB8] =	sst s10  }
0x35: {  	s10 =	sld [smem:$0x3FB7];
	_ =	sdelay $0x3  }
0x36: {  	p1 =	seq.s32 s10, $0x1;
	s10 =	sld [smem:$0x3FB8];
	_ =	sdelay $0x3  }
0x37: {  	[smem:$0x3FB8] =	sst s10  }
0x38: {  	s10 =	sld [smem:$0x3FB9]  }
0x39: {  	_ = 	snop;
	(pc) =	sbr.ind lr, $3  }
0x3a: {  	_ = 	snop  }
0x3b: {  	_ = 	snop  }
0x3c: {  	p2 =	seq.s32 s10, $0x1;
	s10 =	sld [smem:$0x3FB8]  }
0x3d: {  	_ =	shalt  }
0x3e: {  	_ =	shalt  }
0x3f: {  	_ =	shalt  }
0x40: {  	_ =	shalt  }
0x41: {  	_ =	shalt  }
0x42: {  	_ =	shalt  }
0x43: {  	_ =	shalt  }
0x44: {  	_ =	shalt  }
0x45: {  	_ =	shalt  }
0x46: {  	_ =	shalt  }
0x47: {  	_ =	shalt  }
0x48: {  	_ =	shalt  }
0x49: {  	_ =	shalt  }
0x4a: {  	_ =	shalt  }
0x4b: {  	_ =	shalt  }
0x4c: {  	_ =	shalt  }
0x4d: {  	_ =	shalt  }
0x4e: {  	_ =	shalt  }
0x4f: {  	_ =	shalt  }
0x50: {  	_ =	shalt  }
0x51: {  	_ =	shalt  }
0x52: {  	_ =	shalt  }
0x53: {  	_ =	shalt  }
0x54: {  	_ =	shalt  }
0x55: {  	_ =	shalt  }
0x56: {  	_ =	shalt  }
0x57: {  	_ =	shalt  }
0x58: {  	_ =	shalt  }
0x59: {  	_ =	shalt  }
0x5a: {  	_ =	shalt  }
0x5b: {  	_ =	shalt  }
0x5c: {  	_ =	shalt  }
0x5d: {  	_ =	shalt  }
0x5e: {  	_ =	shalt  }
0x5f: {  	_ =	shalt  }
0x60: {  	_ =	shalt  }
0x61: {  	_ =	shalt  }
0x62: {  	_ =	shalt  }
0x63: {  	_ =	shalt  }
0x64: {  	_ =	shalt  }
0x65: {  	_ =	shalt  }
0x66: {  	_ =	shalt  }
0x67: {  	_ =	shalt  }
0x68: {  	_ =	shalt  }
0x69: {  	_ =	shalt  }
0x6a: {  	_ =	shalt  }
0x6b: {  	_ =	shalt  }
0x6c: {  	_ =	shalt  }
0x6d: {  	_ =	shalt  }
0x6e: {  	_ =	shalt  }
0x6f: {  	_ =	shalt  }
0x70: {  	_ =	shalt  }
0x71: {  	_ =	shalt  }
0x72: {  	_ =	shalt  }
0x73: {  	_ =	shalt  }
0x74: {  	_ =	shalt  }
0x75: {  	_ =	shalt  }
0x76: {  	_ =	shalt  }
0x77: {  	_ =	shalt  }
0x78: {  	_ =	shalt  }
0x79: {  	_ =	shalt  }
0x7a: {  	_ =	shalt  }
0x7b: {  	_ =	shalt  }
0x7c: {  	_ =	shalt  }
0x7d: {  	_ =	shalt  }
0x7e: {  	_ =	shalt  }
0x7f: {  	_ =	shalt  }
0x80: {  	_ =	shalt  }
0x81: {  	_ =	shalt  }
0x82: {  	_ =	shalt  }
0x83: {  	_ =	shalt  }
0x84: {  	_ =	shalt  }
0x85: {  	_ =	shalt  }
0x86: {  	_ =	shalt  }
0x87: {  	_ =	shalt  }
.Lfunc_end0:
.L_simem_size_0:
called_computation_lowered:
.L_overlay_start_0:
0x88: {  	s2 =	sld [smem:$0x3FD9]  }
0x89: {  	s3 =	sld [smem:$0x3FFE];
	_ =	sdelay $0x1  }
0x8a: {  	s1 =	srdreg.scid  }
0x8b: {  	s0 =	sand.u32 $0x1, s1  }
0x8c: {  	s17 =	sshll.u32 s0, $0xA;
	s2 =	sadd.s32 s3, s2  }
0x8d: {  	s2 =	sadd.s32 s2, s17  }
0x8e: {  	[smem:$0x3FC4] =	sst s2  }
0x8f: {  	_ = 	snop  }
0x90: {  	s2 =	sld [smem:$0x3FC9]  }
0x91: {  	s18 =	sld [smem:$0x3FD0];
	(tm) =	ssettm $0x1  }
0x92: {  	s4 =	sld [smem:$0x3FFB];
	_ =	sdelay $0x3  }
0x93: {  	_ =	strace s4  }
0x94: {  	s4 =	sld [smem:$0x3FFC];
	_ =	sdelay $0x3  }
0x95: {  	_ =	strace s4  }
0x96: {  	s4 =	sld [smem:$0x3FFD];
	_ =	sdelay $0x3  }
0x97: {  	_ =	strace s4  }
0x98: {  	_ =	strace $0x8FFFFFFF  }
0x99: {  	s19 =	sld [smem:$0x3FDB];
	_ =	sdelay $0x1  }
0x9a: {  	s5 =	simm.s32 $_scs_section_size  }
0x9b: {  	s6 =	simm.s32 $_size__tile_overlayer_lowered;
	s7 =	simm.s32 $_tile_overlayer_lowered  }
0x9c: {  	s22 =	simm.s32 $0x1BFF;
	s21 =	sshll.u32 s7, $0x1;
	s4 =	sadd.s32 s5, s19  }
0x9d: {  	s8 =	simm.s32 $0x0;
	s20 =	sshll.u32 s6, $0x1;
	s6 =	sadd.s32 s21, s4  }
0x9e: {  	[timem:s8], [sflag:s22] =	dma.local [hbm:s6], s20  }
0x9f: {  	_ =	swait.ge [sflag:s22], s20  }
0xa0: {  	s5 =	ssub.s32 $0x0, s20;
	[sflag:s22] =	ssyncset.done $0x0  }
0xa1: {  	[sflag:s22] =	ssyncadd.s32 s5;
	_ =	sdelay $0x1  }
0xa2: {  	s23 =	simm.s32 $0x1B8B  }
0xa3: {  	_ =	swait.ge [sflag:s23], $0x1  }
0xa4: {  	[sflag:s23] =	ssyncset.done $0x0  }
0xa5: {  	s25 =	simm.s32 $0x1B8E;
	s24 =	sld [smem:$0x3FFE];
	[sflag:s23] =	ssyncadd.s32 $0xFFFFFFFF  }
0xa6: {  	s26 =	simm.s32 $execute0_lowered;
	[smem:$0x3FD2] =	sst s25  }
0xa7: {  	s6 =	sshll.u32 s26, $0x1;
	_ =	strace $0x80000046;
	[dreg:$0x1] =	wrdreg $0xFFFFFFFF  }
0xa8: {  	s28 =	simm.s32 $_size_execute0_lowered;
	s4 =	sadd.s32 s4, s6;
	[dreg:$0x0] =	wrdreg $0x0  }
0xa9: {  	s6 =	sshll.u32 s28, $0x1;
	[dreg:$0x2] =	wrdreg s4  }
0xaa: {  	[dreg:$0x3] =	wrdreg s6  }
0xab: {  	[dreg:$0x4] =	wrdreg $0xC0  }
0xac: {  	_ =	task [dreg:s8], $0x5FFFF  }
0xad: {  	[dreg:$0x1] =	wrdreg $0xFFFFFFFF  }
0xae: {  	[dreg:$0x0] =	wrdreg $0x60  }
0xaf: {  	[dreg:$0x2] =	wrdreg s2  }
0xb0: {  	[dreg:$0x3] =	wrdreg s24  }
0xb1: {  	[dreg:$0x4] =	wrdreg s18  }
0xb2: {  	[dreg:$0x5] =	wrdreg $0x9  }
0xb3: {  	_ =	task.clear_ibuf [dreg:s8], $0x6FFFF;
	_ =	strace $0x90000046  }
0xb4: {  	s29 =	simm.s32 $0x9;
	_ =	strace $0x80000048  }
0xb5: {  	_ =	swait.ge [sflag:s29], $0x1  }
0xb6: {  	[sflag:s29] =	ssyncadd.s32 $0xFFFFFFFF  }
0xb7: {  	_ =	strace $0x90000048  }
0xb8: {  	_ =	sfence  }
0xb9: {  	s30 =	sld [smem:$0x0];
	_ =	sdelay $0x2  }
0xba: {  	s31 =	sshll.u32 s1, $0xD;
	s1 =	sshrl.u32 s1, $0x2  }
0xbb: {  	s3 =	sand.u32 $0x4000, s31;
	s1 =	sadd.s32 s1, s30  }
0xbc: {  	s0 =	sor.u32 s3, s0;
	s1 =	sshll.u32 s1, $0x11  }
0xbd: {  	s0 =	sor.u32 s1, s0  }
0xbe: {  	s0 =	sadd.s32 $0x8F2B, s0  }
0xbf: {  	[sflag:s0] =	ssyncadd.remote.s32 $0x1  }
0xc0: {  	_ =	sfence.sel $0xFFFF  }
0xc1: {  	[dreg:$0x0] =	wrdreg $0xFFFFFFFF;
	(pc) =	sbr.abs _section_cstart, $3  }
0xc2: {  	[dreg:$0x1] =	wrdreg $0xFFFFFFFF  }
0xc3: {  	_ =	task.clear_ibuf [dreg:s8], $0x2FFFF;
	_ =	strace $0x9FFFFFFF  }
0xc4: {  	(tm) =	ssettm $0x7FFFFFFF  }
0xc5: {  	_ =	shalt  }
tec
execute0_lowered:
.L_overlay_start_1:
0x0: {  	(tag) =	ssettag $0x1  }
0x1: {  	s0 =	rddreg [dreg:$0x0]  }
0x2: {  	s4 =	srdreg.scid;
	s6 =	stileid.u32  }
0x3: {  	s1 =	rddreg [dreg:$0x1];
	s5 =	sand.u32 $0x1, s4;
	s29 =	sshll.u32 s6, $0x1  }
0x4: {  	s2 =	rddreg [dreg:$0x2];
	s3 =	simm.s32 $0x0;
	s7 =	sor.u32 s5, s29  }
0x5: {  	[smem:$0x7FF] =	sst s3;
	s8 =	ssub.s32 $0x2, s5;
	s9 =	smul.u32 $0x320, s7  }
0x6: {  	s4 =	sadd.s32 $0x2000, s1;
	s6 =	sadd.s32 $0x188C00, s1;
	s30 =	sshrl.u32 s8, $0x1  }
0x7: {  	s5 =	sadd.s32 $0xC5600, s1;
	s1 =	ssub.s32 s8, s30;
	s0 =	sadd.s32 s0, s9  }
0x8: {  	_ =	strace $0x80000047;
	s31 =	smax.u32 s1, $0x1;
	[dreg:$0x4] =	wrdreg s0  }
0x9: {  	s17 =	simm.s32 $0x0;
	s7 =	smul.u32 $0x1900, s7;
	[dreg:$0x5] =	wrdreg s31  }
.LBB2_1:
0xa: {  	s0 =	rddreg [dreg:$0x4];
	s28 =	simm.s32 $0x5  }
0xb: {  	[tilespmem:s3], [sflag:$0x5] =	stream.linear.gather [hbm4b:s0+s3], $0x1900, $0x38;
	[tilespmem:$0x15900] =	vst v63  }
0xc: {  	_ =	swait.ge [sflag:s28], $0x1900  }
0xd: {  	[sflag:s28] =	ssyncset.done $0x0  }
0xe: {  	s29 =	simm.s32 $0x80;
	s1 =	simm.s32 $0x1900;
	[sflag:s28] =	ssyncadd.s32 $0xFFFFE700  }
0xf: {  	[tilespmem:s1], [sflag:$0x1] =	stream.indirect.gather [hbm4b:s4+s29], $0x40, s3, s29, $0xb8;
	[tilespmem:$0x15900] =	vst v63  }
0x10: {  	s30 =	simm.s32 $0x5900  }
0x11: {  	[tilespmem:s30], [sflag:$0x1] =	stream.indirect.gather [hbm4b:s5+s29], $0x40, s3, s29, $0xb8;
	[tilespmem:$0x15900] =	vst v63  }
0x12: {  	s31 =	simm.s32 $0x9900;
	p0 =	por $0x0, $0x0;
	s18 =	simm.s32 $0x0  }
0x13: {  	[tilespmem:s31], [sflag:$0x1] =	stream.indirect.gather [hbm4b:s6+s29], $0x40, s3, s29, $0xb8;
	[tilespmem:$0x15900] =	vst v63  }
.LBB2_2:
0x14: {  	s19 =	sand.u32 $0x1, s18;
	p1 =	seq.s32 s18, $0x31  }
0x15: {  	s0 =	smov.u32 s18;
	s18 =	sadd.s32 $0x1, s18;
	s1 =	sxor.u32 @!p1 $0x1, s19  }
0x16: {  	s10 =	sshll.u32 @!p1 s18, $0x7;
	s11 =	simm.s32 @!p1 $0x80;
	s8 =	sshll.u32 @!p1 s1, $0xD  }
0x17: {  	s10 =	sand.u32 @!p1 $0x3FFFFF80, s10;
	s1 =	sadd.s32 @!p1 $0x1, s1;
	s9 =	sor.u32 @!p1 $0x1900, s8  }
0x18: {  	[tilespmem:s9], [sflag:s1] =	stream.indirect.gather @!p1 [hbm4b:s4+s11], $0x40, s10, s11, $0xb8;
	[tilespmem:$0x15900] =	vst v63  }
0x19: {  	s9 =	sor.u32 @!p1 $0x5900, s8  }
0x1a: {  	[tilespmem:s9], [sflag:s1] =	stream.indirect.gather @!p1 [hbm4b:s5+s11], $0x40, s10, s11, $0xb8;
	[tilespmem:$0x15900] =	vst v63  }
0x1b: {  	s13 =	sadd.s32 $0x1, s19;
	s8 =	sor.u32 @!p1 $0x9900, s8  }
0x1c: {  	[tilespmem:s8], [sflag:s1] =	stream.indirect.gather @!p1 [hbm4b:s6+s11], $0x40, s10, s11, $0xb8;
	[tilespmem:$0x15900] =	vst v63  }
0x1d: {  	_ =	swait.ge [sflag:s13], $0x2000  }
0x1e: {  	[sflag:s13] =	ssyncset.done $0x0  }
0x1f: {  	[sflag:s13] =	ssyncadd.s32 $0xFFFFE000  }
0x20: {  	_ =	swait.ge [sflag:s13], $0x2000  }
0x21: {  	[sflag:s13] =	ssyncset.done $0x0  }
0x22: {  	s14 =	sshll.u32 s0, $0x4;
	[sflag:s13] =	ssyncadd.s32 $0xFFFFE000  }
0x23: {  	s8 =	sand.u32 $0x1FF0, s14;
	_ =	swait.ge [sflag:s13], $0x2000  }
0x24: {  	p1 =	slt.u32 s0, $0x2;
	s8 =	smul.u32 $0x147B, s8;
	[sflag:s13] =	ssyncset.done $0x0  }
0x25: {  	s11 =	simm.s32 $0x1;
	s1 =	sadd.s32 @!p1 $0x3, s19;
	[sflag:s13] =	ssyncadd.s32 $0xFFFFE000  }
0x26: {  	s11 =	simm.s32 @!p0 $0x0;
	s8 =	sshrl.u32 s8, $0x11;
	_ =	swait.ge @!p1 [sflag:s1], $0x4000  }
0x27: {  	s15 =	sshll.u32 s11, $0xD;
	s8 =	smul.u32 $0xC8, s8;
	[sflag:s1] =	ssyncset.done @!p1 $0x0  }
0x28: {  	s20 =	sshll.u32 s0, $0x7;
	s9 =	sor.u32 $0x5940, s15;
	[sflag:s1] =	ssyncadd.s32 @!p1 $0xFFFFC000  }
0x29: {  	s0 =	ssub.s32 s20, s8;
	v0 =	vld [tilespmem:s9+$0xFFFFFFC0]  }
0x2a: {  	s8 =	sor.u32 $0x9940, s15;
	s0 =	sor.u32 $0x1, s0  }
0x2b: {  	s0 =	sand.u32 $0xFFF9, s0;
	v1 =	vld [tilespmem:s8+$0xFFFFFFC0]  }
0x2c: {  	s16 =	scvt.s32.f32 s0;
	s1 =	sor.u32 $0x1940, s15  }
0x2d: {  	v2 =	vld [tilespmem:s1+$0xFFFFFFC0]  }
0x2e: {  	v0 =	vmul.f32 s16, v0;
	_ =	sdelay $0x1  }
0x2f: {  	v0 =	vadd.f32 v1, v0;
	_ =	sdelay $0x1  }
0x30: {  	s11 =	sshll.u32 s11, $0xE;
	v1 =	vadd.f32 v0, v2  }
0x31: {  	s21 =	sadd.s32 $0xD980, s11;
	v0 =	vsub.f32 v2, v0  }
0x32: {  	[tilespmem:s21+$0xFFFFFF80] =	vst v1  }
0x33: {  	[tilespmem:s21+$0xFFFFFFC0] =	vst v0  }
0x34: {  	v0 =	vld [tilespmem:s9+$0xFFFFFFD0];
	_ =	sdelay $0x1  }
0x35: {  	v1 =	vld [tilespmem:s8+$0xFFFFFFD0]  }
0x36: {  	v2 =	vld [tilespmem:s9+$0x0]  }
0x37: {  	v3 =	vld [tilespmem:s1+$0xFFFFFFD0]  }
0x38: {  	s26 =	sadd.s32 $0x80, s9;
	p1 =	sgt.s32 s0, $0xC7;
	s0 =	sadd.s32 $0x1, s0;
	v4 =	vld [tilespmem:s8+$0x0];
	v0 =	vmul.f32 s16, v0  }
0x39: {  	s23 =	sadd.s32 $0x80, s8;
	v5 =	vld [tilespmem:s26+$0xFFFFFFC0];
	s0 =	simm.s32 @p1 $0x1  }
0x3a: {  	v6 =	vld [tilespmem:s1+$0x0];
	s12 =	scvt.s32.f32 s0;
	p1 =	sgt.s32 s0, $0xC7;
	s0 =	sadd.s32 $0x1, s0;
	v0 =	vadd.f32 v1, v0  }
0x3b: {  	s0 =	simm.s32 @p1 $0x1;
	v1 =	vld [tilespmem:s23+$0xFFFFFFC0]  }
0x3c: {  	s24 =	sadd.s32 $0x80, s1;
	s15 =	scvt.s32.f32 s0;
	v2 =	vmul.f32 s12, v2;
	v7 =	vadd.f32 v0, v3  }
0x3d: {  	v8 =	vld [tilespmem:s24+$0xFFFFFFC0];
	v0 =	vsub.f32 v3, v0  }
0x3e: {  	v2 =	vadd.f32 v4, v2;
	v3 =	vmul.f32 s15, v5;
	[tilespmem:s21+$0xFFFFFF90] =	vst v7  }
0x3f: {  	[tilespmem:s21+$0xFFFFFFD0] =	vst v0  }
0x40: {  	v0 =	vld [tilespmem:s9+$0xFFFFFFE0];
	v1 =	vadd.f32 v1, v3;
	v3 =	vadd.f32 v2, v6  }
0x41: {  	v2 =	vsub.f32 v6, v2  }
0x42: {  	v4 =	vld [tilespmem:s8+$0xFFFFFFE0];
	v5 =	vadd.f32 v1, v8;
	[tilespmem:s21+$0x0] =	vst v3  }
0x43: {  	s22 =	sadd.s32 $0x100, s21;
	v9 =	vld [tilespmem:s24+$0x0];
	v1 =	vsub.f32 v8, v1;
	[tilespmem:s21+$0x40] =	vst v2  }
0x44: {  	v3 =	vld [tilespmem:s1+$0xFFFFFFE0];
	[tilespmem:s22+$0xFFFFFF80] =	vst v5  }
0x45: {  	v5 =	vld [tilespmem:s9+$0x10];
	[tilespmem:s22+$0xFFFFFFC0] =	vst v1;
	v0 =	vmul.f32 s16, v0  }
0x46: {  	v1 =	vld [tilespmem:s26+$0xFFFFFFD0]  }
0x47: {  	v0 =	vadd.f32 v4, v0;
	v4 =	vld [tilespmem:s8+$0x10]  }
0x48: {  	v6 =	vld [tilespmem:s23+$0xFFFFFFD0]  }
0x49: {  	v8 =	vld [tilespmem:s1+$0x10];
	v7 =	vadd.f32 v0, v3  }
0x4a: {  	s25 =	sadd.s32 $0x80, s24;
	v0 =	vsub.f32 v3, v0;
	v3 =	vld [tilespmem:s24+$0xFFFFFFD0];
	v5 =	vmul.f32 s12, v5  }
0x4b: {  	v2 =	vld [tilespmem:s25+$0xFFFFFFC0];
	v1 =	vmul.f32 s15, v1;
	[tilespmem:s21+$0xFFFFFFA0] =	vst v7  }
0x4c: {  	v7 =	vld [tilespmem:s26+$0x0];
	[tilespmem:s21+$0xFFFFFFE0] =	vst v0;
	v0 =	vadd.f32 v4, v5  }
0x4d: {  	v4 =	vld [tilespmem:s9+$0xFFFFFFF0];
	v1 =	vadd.f32 v6, v1  }
0x4e: {  	v5 =	vld [tilespmem:s8+$0xFFFFFFF0];
	v6 =	vadd.f32 v0, v8  }
0x4f: {  	v10 =	vld [tilespmem:s1+$0xFFFFFFF0];
	v11 =	vadd.f32 v1, v3  }
0x50: {  	s30 =	sadd.s32 $0x80, s26;
	p1 =	sgt.s32 s0, $0xC7;
	s13 =	sadd.s32 $0x1, s0;
	v1 =	vsub.f32 v3, v1;
	v3 =	vld [tilespmem:s23+$0x0];
	[tilespmem:s21+$0x10] =	vst v6  }
0x51: {  	s29 =	sadd.s32 $0x80, s23;
	s13 =	simm.s32 @p1 $0x1;
	v0 =	vsub.f32 v8, v0;
	v6 =	vld [tilespmem:s30+$0xFFFFFFC0];
	[tilespmem:s22+$0xFFFFFF90] =	vst v11  }
0x52: {  	s0 =	scvt.s32.f32 s13;
	p1 =	sgt.s32 s13, $0xC7;
	s13 =	sadd.s32 $0x1, s13;
	v8 =	vld [tilespmem:s29+$0xFFFFFFC0];
	[tilespmem:s22+$0xFFFFFFD0] =	vst v1  }
0x53: {  	s13 =	simm.s32 @p1 $0x1;
	[tilespmem:s21+$0x50] =	vst v0;
	v1 =	vld [tilespmem:s26+$0xFFFFFFE0]  }
0x54: {  	s31 =	scvt.s32.f32 s13;
	v0 =	vmul.f32 s0, v7;
	v7 =	vld [tilespmem:s9+$0x20]  }
0x55: {  	v11 =	vld [tilespmem:s23+$0xFFFFFFE0]  }
0x56: {  	v12 =	vld [tilespmem:s8+$0x20];
	v0 =	vadd.f32 v3, v0;
	v6 =	vmul.f32 s31, v6  }
0x57: {  	s14 =	sadd.s32 $0x80, s25;
	v13 =	vld [tilespmem:s24+$0xFFFFFFE0]  }
0x58: {  	v14 =	vmul.f32 s15, v1;
	v1 =	vld [tilespmem:s14+$0xFFFFFFC0];
	v3 =	vadd.f32 v8, v6;
	v6 =	vadd.f32 v0, v9  }
0x59: {  	v8 =	vld [tilespmem:s1+$0x20];
	v9 =	vsub.f32 v9, v0  }
0x5a: {  	v0 =	vld [tilespmem:s25+$0x0];
	v15 =	vadd.f32 v3, v2;
	[tilespmem:s22+$0x0] =	vst v6  }
0x5b: {  	s28 =	sadd.s32 $0x100, s22;
	v6 =	vmul.f32 s12, v7;
	v2 =	vsub.f32 v2, v3;
	v3 =	vld [tilespmem:s30+$0x0];
	v7 =	vadd.f32 v11, v14;
	[tilespmem:s22+$0x40] =	vst v9  }
0x5c: {  	v9 =	vld [tilespmem:s26+$0x10];
	[tilespmem:s28+$0xFFFFFF80] =	vst v15  }
0x5d: {  	v11 =	vld [tilespmem:s23+$0x10];
	v6 =	vadd.f32 v12, v6;
	[tilespmem:s28+$0xFFFFFFC0] =	vst v2;
	v2 =	vadd.f32 v7, v13  }
0x5e: {  	v7 =	vsub.f32 v13, v7;
	v58 =	vld [tilespmem:s30+$0xFFFFFFD0]  }
0x5f: {  	v60 =	vld [tilespmem:s29+$0xFFFFFFD0];
	v59 =	vadd.f32 v6, v8;
	[tilespmem:s22+$0xFFFFFFA0] =	vst v2  }
0x60: {  	v2 =	vmul.f32 s16, v4;
	v4 =	vsub.f32 v8, v6;
	v6 =	vld [tilespmem:s25+$0xFFFFFFD0];
	[tilespmem:s22+$0xFFFFFFE0] =	vst v7  }
0x61: {  	v7 =	vld [tilespmem:s24+$0x10];
	[tilespmem:s21+$0x20] =	vst v59  }
0x62: {  	v8 =	vld [tilespmem:s26+$0xFFFFFFF0];
	v2 =	vadd.f32 v5, v2;
	v5 =	vmul.f32 s0, v9;
	[tilespmem:s21+$0x60] =	vst v4  }
0x63: {  	v9 =	vld [tilespmem:s9+$0x30];
	v4 =	vmul.f32 s31, v58  }
0x64: {  	v61 =	vadd.f32 v2, v10;
	v5 =	vadd.f32 v11, v5;
	v11 =	vld [tilespmem:s23+$0xFFFFFFF0]  }
0x65: {  	v13 =	vld [tilespmem:s8+$0x30];
	v2 =	vsub.f32 v10, v2;
	v4 =	vadd.f32 v60, v4  }
0x66: {  	v62 =	vld [tilespmem:s24+$0xFFFFFFF0];
	[tilespmem:s21+$0xFFFFFFB0] =	vst v61;
	v10 =	vadd.f32 v5, v7  }
0x67: {  	s10 =	simm.s32 $0x6;
	[tilespmem:s21+$0xFFFFFFF0] =	vst v2;
	v63 =	vmul.f32 s15, v8;
	v2 =	vld [tilespmem:s1+$0x30];
	v14 =	vadd.f32 v4, v6  }
0x68: {  	p1 =	sgt.s32 s13, $0xC7;
	s8 =	sadd.s32 $0x1, s13;
	s13 =	sadd.s32 $0x80, s30;
	v8 =	vld [tilespmem:s29+$0x0];
	v4 =	vsub.f32 v6, v4;
	[tilespmem:s22+$0x10] =	vst v10;
	v6 =	vmul.f32 s12, v9  }
0x69: {  	s16 =	sshll.u32 s19, $0xE;
	s8 =	simm.s32 @p1 $0x1;
	v16 =	vsub.f32 v7, v5;
	v9 =	vld [tilespmem:s13+$0xFFFFFFC0];
	s12 =	sadd.s32 $0x80, s29;
	v5 =	vadd.f32 v11, v63;
	[tilespmem:s28+$0xFFFFFF90] =	vst v14  }
0x6a: {  	p1 =	sgt.s32 s8, $0xC7;
	s11 =	sadd.s32 $0x1, s8;
	s9 =	scvt.s32.f32 s8;
	v10 =	vld [tilespmem:s12+$0xFFFFFFC0];
	[tilespmem:s28+$0xFFFFFFD0] =	vst v4;
	v4 =	vadd.f32 v13, v6  }
0x6b: {  	s8 =	smov.u32 s14;
	s1 =	sadd.s32 $0xD900, s16;
	s11 =	simm.s32 @p1 $0x1;
	[tilespmem:s22+$0x50] =	vst v16;
	v7 =	vld [tilespmem:s30+$0xFFFFFFE0];
	v6 =	vadd.f32 v5, v62;
	v5 =	vsub.f32 v62, v5  }
.LBB2_3:
0x6c: {  	s10 =	sadd.s32 $0x2, s10;
	s16 =	scvt.s32.f32 s11;
	v3 =	vmul.f32 s9, v3;
	v11 =	vld [tilespmem:s26+$0x20];
	v12 =	vadd.f32 v4, v2;
	v2 =	vsub.f32 v2, v4;
	s15 =	smov.u32 s9  }
0x6d: {  	p1 =	slt.u32 s10, $0x7E;
	v4 =	vld [tilespmem:s29+$0xFFFFFFE0];
	[tilespmem:s22+$0xFFFFFFB0] =	vst v6  }
0x6e: {  	v6 =	vmul.f32 s16, v9;
	v3 =	vadd.f32 v8, v3;
	[tilespmem:s22+$0xFFFFFFF0] =	vst v5;
	v5 =	vld [tilespmem:s23+$0x20]  }
0x6f: {  	v8 =	vld [tilespmem:s25+$0xFFFFFFE0];
	[tilespmem:s21+$0x30] =	vst v12  }
0x70: {  	s14 =	sadd.s32 $0x80, s14;
	v6 =	vadd.f32 v10, v6;
	v7 =	vmul.f32 s31, v7;
	v9 =	vadd.f32 v3, v0;
	v10 =	vld [tilespmem:s24+$0x20];
	[tilespmem:s21+$0x70] =	vst v2;
	s21 =	smov.u32 s22;
	s22 =	smov.u32 s28  }
0x71: {  	v12 =	vsub.f32 v0, v3;
	v2 =	vld [tilespmem:s14+$0xFFFFFFC0];
	v11 =	vmul.f32 s0, v11  }
0x72: {  	v13 =	vadd.f32 v6, v1;
	v1 =	vsub.f32 v1, v6;
	v0 =	vld [tilespmem:s8+$0x0];
	[tilespmem:s28+$0x0] =	vst v9  }
0x73: {  	v4 =	vadd.f32 v4, v7;
	s28 =	sadd.s32 $0x100, s28;
	v3 =	vld [tilespmem:s13+$0x0];
	[tilespmem:s22+$0x40] =	vst v12;
	v5 =	vadd.f32 v5, v11  }
0x74: {  	[tilespmem:s28+$0xFFFFFF80] =	vst v13;
	v6 =	vld [tilespmem:s30+$0x10]  }
0x75: {  	v7 =	vadd.f32 v4, v8;
	v4 =	vsub.f32 v8, v4;
	[tilespmem:s28+$0xFFFFFFC0] =	vst v1;
	v8 =	vld [tilespmem:s29+$0x10]  }
0x76: {  	v11 =	vadd.f32 v5, v10;
	v5 =	vsub.f32 v10, v5;
	v9 =	vld [tilespmem:s13+$0xFFFFFFD0];
	v1 =	vmov v2  }
0x77: {  	v2 =	vld [tilespmem:s12+$0xFFFFFFD0];
	[tilespmem:s22+$0xFFFFFFA0] =	vst v7  }
0x78: {  	v7 =	vld [tilespmem:s8+$0xFFFFFFD0];
	[tilespmem:s22+$0xFFFFFFE0] =	vst v4  }
0x79: {  	v4 =	vld [tilespmem:s25+$0x10];
	v6 =	vmul.f32 s15, v6;
	[tilespmem:s21+$0x20] =	vst v11  }
0x7a: {  	v10 =	vld [tilespmem:s30+$0xFFFFFFF0];
	[tilespmem:s21+$0x60] =	vst v5  }
0x7b: {  	v5 =	vmul.f32 s16, v9;
	v6 =	vadd.f32 v8, v6;
	v9 =	vld [tilespmem:s26+$0x30];
	s26 =	smov.u32 s30;
	s30 =	smov.u32 s13  }
0x7c: {  	v11 =	vld [tilespmem:s29+$0xFFFFFFF0]  }
0x7d: {  	v2 =	vadd.f32 v2, v5;
	v5 =	vld [tilespmem:s23+$0x30];
	s23 =	smov.u32 s29;
	s29 =	smov.u32 s12  }
0x7e: {  	v12 =	vld [tilespmem:s25+$0xFFFFFFF0];
	v13 =	vadd.f32 v6, v4;
	v14 =	vsub.f32 v4, v6  }
.Ltmp0:
0x7f: {  	v4 =	vadd.f32 v2, v7;
	v6 =	vsub.f32 v7, v2;
	v7 =	vmul.f32 s31, v10;
	v2 =	vld [tilespmem:s24+$0x30];
	s31 =	smov.u32 s16;
	s24 =	smov.u32 s25;
	(pc) =	sbr.rel @p1 .LBB2_3-.Ltmp0, $4  }
0x80: {  	p2 =	sgt.s32 s11, $0xC7;
	s11 =	sadd.s32 $0x1, s11;
	s13 =	sadd.s32 $0x80, s13;
	v8 =	vld [tilespmem:s12+$0x0];
	[tilespmem:s22+$0x10] =	vst v13;
	v13 =	vmul.f32 s0, v9  }
0x81: {  	s11 =	simm.s32 @p2 $0x1;
	s25 =	smov.u32 s8;
	s12 =	sadd.s32 $0x80, s12;
	v9 =	vld [tilespmem:s13+$0xFFFFFFC0];
	[tilespmem:s28+$0xFFFFFF90] =	vst v4;
	v11 =	vadd.f32 v11, v7  }
0x82: {  	s9 =	scvt.s32.f32 s11;
	p2 =	sgt.s32 s11, $0xC7;
	s11 =	sadd.s32 $0x1, s11;
	v10 =	vld [tilespmem:s12+$0xFFFFFFC0];
	[tilespmem:s28+$0xFFFFFFD0] =	vst v6;
	v4 =	vadd.f32 v5, v13  }
0x83: {  	s11 =	simm.s32 @p2 $0x1;
	s8 =	smov.u32 s14;
	s0 =	smov.u32 s15;
	v7 =	vld [tilespmem:s30+$0xFFFFFFE0];
	v6 =	vadd.f32 v11, v12;
	v5 =	vsub.f32 v12, v11;
	[tilespmem:s22+$0x50] =	vst v14  }
0x84: {  	v3 =	vmul.f32 s9, v3;
	v56 =	vld [tilespmem:s13+$0x0]  }
0x85: {  	s14 =	scvt.s32.f32 s11;
	v11 =	vld [tilespmem:s26+$0x20];
	p1 =	sgt.s32 s11, $0xC7;
	s10 =	sadd.s32 $0x1, s11  }
0x86: {  	v59 =	vld [tilespmem:s12+$0x0];
	s10 =	simm.s32 @p1 $0x1;
	v3 =	vadd.f32 v8, v3  }
0x87: {  	v12 =	vld [tilespmem:s23+$0x20];
	v9 =	vmul.f32 s14, v9;
	s15 =	scvt.s32.f32 s10  }
0x88: {  	v61 =	vld [tilespmem:s8+$0x0];
	v57 =	vadd.f32 v3, v0  }
0x89: {  	v62 =	vld [tilespmem:s24+$0x20];
	v9 =	vadd.f32 v10, v9;
	v58 =	vsub.f32 v0, v3;
	v8 =	vmul.f32 s15, v56  }
0x8a: {  	v20 =	vld [tilespmem:s29+$0xFFFFFFE0];
	[tilespmem:s28+$0x0] =	vst v57  }
0x8b: {  	v23 =	vld [tilespmem:s25+$0xFFFFFFE0];
	v13 =	vadd.f32 v9, v1;
	[tilespmem:s28+$0x40] =	vst v58;
	v3 =	vadd.f32 v59, v8  }
0x8c: {  	s16 =	sadd.s32 $0x100, s28;
	v60 =	vsub.f32 v1, v9;
	v10 =	vld [tilespmem:s30+$0x10]  }
0x8d: {  	v63 =	vld [tilespmem:s29+$0x10];
	[tilespmem:s16+$0xFFFFFF80] =	vst v13;
	v14 =	vadd.f32 v3, v61  }
0x8e: {  	v7 =	vmul.f32 s31, v7;
	v16 =	vld [tilespmem:s25+$0x10];
	[tilespmem:s16+$0xFFFFFFC0] =	vst v60;
	v3 =	vsub.f32 v61, v3  }
0x8f: {  	v1 =	vld [tilespmem:s13+$0xFFFFFFD0];
	[tilespmem:s16+$0x0] =	vst v14  }
0x90: {  	v11 =	vmul.f32 s0, v11;
	v7 =	vadd.f32 v20, v7;
	v13 =	vld [tilespmem:s12+$0xFFFFFFD0];
	[tilespmem:s16+$0x40] =	vst v3  }
0x91: {  	v10 =	vmul.f32 s9, v10;
	v19 =	vld [tilespmem:s13+$0x10]  }
0x92: {  	v11 =	vadd.f32 v12, v11;
	v28 =	vadd.f32 v7, v23;
	v17 =	vld [tilespmem:s8+$0xFFFFFFD0]  }
0x93: {  	v33 =	vsub.f32 v23, v7;
	v22 =	vld [tilespmem:s12+$0x10];
	v8 =	vadd.f32 v63, v10  }
0x94: {  	v0 =	vsub.f32 v62, v11;
	[tilespmem:s28+$0xFFFFFFA0] =	vst v28;
	v1 =	vmul.f32 s14, v1  }
0x95: {  	[tilespmem:s28+$0xFFFFFFE0] =	vst v33;
	v25 =	vld [tilespmem:s8+$0x10];
	v21 =	vadd.f32 v8, v16  }
0x96: {  	[tilespmem:s22+$0x60] =	vst v0;
	v1 =	vadd.f32 v13, v1;
	v8 =	vsub.f32 v16, v8;
	v26 =	vmul.f32 s15, v19  }
0x97: {  	v3 =	vld [tilespmem:s30+$0xFFFFFFF0];
	[tilespmem:s28+$0x10] =	vst v21  }
0x98: {  	v37 =	vld [tilespmem:s29+$0xFFFFFFF0];
	v24 =	vadd.f32 v1, v17;
	[tilespmem:s28+$0x50] =	vst v8;
	v0 =	vadd.f32 v22, v26  }
0x99: {  	v1 =	vsub.f32 v17, v1;
	v29 =	vld [tilespmem:s30+$0x20]  }
0x9a: {  	v32 =	vld [tilespmem:s29+$0x20];
	[tilespmem:s16+$0xFFFFFF90] =	vst v24;
	v31 =	vadd.f32 v0, v25  }
0x9b: {  	v35 =	vld [tilespmem:s25+$0x20];
	[tilespmem:s16+$0xFFFFFFD0] =	vst v1;
	v0 =	vsub.f32 v25, v0  }
0x9c: {  	v1 =	vld [tilespmem:s13+$0xFFFFFFE0];
	[tilespmem:s16+$0x10] =	vst v31  }
0x9d: {  	v30 =	vld [tilespmem:s12+$0xFFFFFFE0];
	[tilespmem:s16+$0x50] =	vst v0  }
0x9e: {  	v0 =	vld [tilespmem:s13+$0x20];
	v10 =	vmul.f32 s9, v29  }
0x9f: {  	v34 =	vld [tilespmem:s8+$0xFFFFFFE0]  }
0xa0: {  	v18 =	vadd.f32 v11, v62;
	v36 =	vld [tilespmem:s12+$0x20];
	v8 =	vadd.f32 v32, v10  }
0xa1: {  	v42 =	vld [tilespmem:s25+$0xFFFFFFF0];
	v1 =	vmul.f32 s14, v1  }
0xa2: {  	[tilespmem:s22+$0x20] =	vst v18;
	v39 =	vld [tilespmem:s8+$0x20];
	v41 =	vadd.f32 v8, v35  }
0xa3: {  	v27 =	vld [tilespmem:s26+$0x30];
	v1 =	vadd.f32 v30, v1;
	v8 =	vsub.f32 v35, v8;
	v0 =	vmul.f32 s15, v0  }
0xa4: {  	v40 =	vld [tilespmem:s23+$0x30];
	[tilespmem:s28+$0x20] =	vst v41  }
0xa5: {  	v43 =	vld [tilespmem:s24+$0x30];
	v38 =	vadd.f32 v1, v34;
	[tilespmem:s28+$0x60] =	vst v8;
	v0 =	vadd.f32 v36, v0  }
0xa6: {  	[tilespmem:s22+$0xFFFFFFB0] =	vst v6;
	v1 =	vsub.f32 v34, v1;
	v8 =	vld [tilespmem:s30+$0x30]  }
0xa7: {  	v46 =	vld [tilespmem:s29+$0x30];
	[tilespmem:s16+$0xFFFFFFA0] =	vst v38;
	v11 =	vadd.f32 v0, v39  }
0xa8: {  	v3 =	vmul.f32 s31, v3;
	v53 =	vld [tilespmem:s25+$0x30];
	[tilespmem:s16+$0xFFFFFFE0] =	vst v1;
	v0 =	vsub.f32 v39, v0  }
0xa9: {  	v44 =	vld [tilespmem:s13+$0xFFFFFFF0];
	[tilespmem:s16+$0x20] =	vst v11  }
0xaa: {  	v47 =	vadd.f32 v4, v2;
	v9 =	vmul.f32 s0, v27;
	v3 =	vadd.f32 v37, v3;
	v45 =	vld [tilespmem:s12+$0xFFFFFFF0];
	[tilespmem:s16+$0x60] =	vst v0  }
0xab: {  	v49 =	vsub.f32 v2, v4;
	[tilespmem:s22+$0xFFFFFFF0] =	vst v5;
	v50 =	vld [tilespmem:s13+$0x30]  }
0xac: {  	[tilespmem:s21+$0x30] =	vst v47;
	v51 =	vadd.f32 v40, v9;
	v52 =	vadd.f32 v3, v42;
	v48 =	vld [tilespmem:s8+$0xFFFFFFF0];
	v8 =	vmul.f32 s9, v8  }
0xad: {  	[tilespmem:s21+$0x70] =	vst v49;
	v54 =	vsub.f32 v42, v3;
	v55 =	vld [tilespmem:s12+$0x30]  }
0xae: {  	v56 =	vadd.f32 v51, v43;
	[tilespmem:s28+$0xFFFFFFB0] =	vst v52;
	v10 =	vmul.f32 s14, v44;
	v58 =	vadd.f32 v46, v8  }
0xaf: {  	[tilespmem:s28+$0xFFFFFFF0] =	vst v54;
	v1 =	vsub.f32 v43, v51;
	v57 =	vld [tilespmem:s8+$0x30]  }
0xb0: {  	[tilespmem:s22+$0x30] =	vst v56;
	v6 =	vadd.f32 v45, v10;
	v60 =	vadd.f32 v58, v53;
	v4 =	vmul.f32 s15, v50  }
0xb1: {  	[tilespmem:s22+$0x70] =	vst v1;
	v61 =	vsub.f32 v53, v58  }
0xb2: {  	v59 =	vadd.f32 v6, v48;
	[tilespmem:s28+$0x30] =	vst v60;
	v3 =	vadd.f32 v55, v4  }
0xb3: {  	p1 =	sne.s32 s18, $0x32;
	v0 =	vsub.f32 v48, v6;
	[tilespmem:s28+$0x70] =	vst v61  }
.Ltmp1:
0xb4: {  	[tilespmem:s16+$0xFFFFFFB0] =	vst v59;
	v62 =	vadd.f32 v3, v57;
	(pc) =	sbr.rel @p1 .LBB2_2-.Ltmp1, $4  }
0xb5: {  	s30 =	sadd.s32 s7, s20;
	[tilespmem:s16+$0xFFFFFFF0] =	vst v0;
	v63 =	vsub.f32 v57, v3  }
0xb6: {  	s0 =	sshll.u32 s30, $0x4;
	[tilespmem:s16+$0x30] =	vst v62  }
0xb7: {  	p0 =	por !p0, !p0;
	s31 =	sadd.s32 $0x3, s19;
	s0 =	sadd.s32 s2, s0;
	[tilespmem:s16+$0x70] =	vst v63  }
0xb8: {  	[hbm4b:s0+s3] =	stream.linear.scatter [tilespmem:s1], [sflag:s31], $0x4000, $0x38;
	[tilespmem:$0x15900] =	vst v63  }
0xb9: {  	s0 =	simm.s32 $0x3  }
0xba: {  	_ =	swait.ge [sflag:s0], $0x4000  }
0xbb: {  	[sflag:s0] =	ssyncset.done $0x0  }
0xbc: {  	s1 =	simm.s32 $0x4;
	[sflag:s0] =	ssyncadd.s32 $0xFFFFC000  }
0xbd: {  	_ =	swait.ge [sflag:s1], $0x4000  }
0xbe: {  	s17 =	sadd.s32 $0x1, s17;
	s31 =	rddreg [dreg:$0x5]  }
0xbf: {  	p0 =	sne.s32 s17, s31  }
.Ltmp2:
0xc0: {  	_ = 	snop;
	(pc) =	sbr.rel @p0 .LBB2_1-.Ltmp2, $3  }
0xc1: {  	_ =	sdelay $0x1  }
0xc2: {  	[sflag:s1] =	ssyncset.done $0x0  }
0xc3: {  	[sflag:s1] =	ssyncadd.s32 $0xFFFFC000  }
0xc4: {  	_ =	sfence.sel $0x180000  }
0xc5: {  	[bflag:$0x0] =	sbarrier.arrive $0xFFFF  }
0xc6: {  	_ =	strace $0x90000047  }
0xc7: {  	s0 =	stileid.u32;
	[bflag:$0x2] =	sbarrier.arrive $0xFFFF  }
0xc8: {  	p0 =	sne.s32 s0, $0x0;
	s0 =	rddreg [dreg:$0x3]  }
0xc9: {  	s0 =	sadd.s32 @!p0 $0x100000, s0  }
0xca: {  	[sflag:s0] =	ssyncadd.tile.s32 @!p0 $0x1;
	_ =	shalt  }
.Lfunc_end2:
_tile_overlayer_lowered:
.L_overlay_start_2:
0xcb: {  	(tag) =	ssettag $0x2  }
0xcc: {  	s0 =	rddreg [dreg:$0x0];
	s2 =	stileid.u32  }
0xcd: {  	s1 =	rddreg [dreg:$0x1];
	p0 =	sne.s32 s2, $0x0  }
0xce: {  	s3 =	rddreg [dreg:$0x2];
	[bflag:$0x3] =	sbarrier.arrive $0xFFFF;
	s2 =	simm.s32 @!p0 $0x1C05  }
0xcf: {  	[timem:s3], [sflag:s2] =	dma.local @!p0 [hbm:s0], s1  }
0xd0: {  	s0 =	simm.s32 @!p0 $0x5  }
0xd1: {  	_ =	swait.ge @!p0 [sflag:s0], s1  }
0xd2: {  	s1 =	ssub.s32 @!p0 $0x0, s1;
	[sflag:s0] =	ssyncset.done @!p0 $0x0  }
0xd3: {  	[sflag:s0] =	ssyncadd.s32 @!p0 s1  }
0xd4: {  	[bflag:$0x3] =	sbarrier.arrive $0xFFFF  }
0xd5: {  	_ =	shalt  }

</sc_bundles>
